<compile_context>
chip_gen: v7x
topology: tpu7x:2x2x1
jax: 0.10.2.dev20260603
libtpu: 0.0.44.dev20260713+nightly
codegen_flags: <defaults>
</compile_context>

<pallas_src>
import functools

import jax
import jax.numpy as jnp
from jax import lax
from jax.experimental import pallas as pl
from jax.experimental.pallas import tpu as pltpu
from jax.experimental.pallas import tpu_sc as plsc

_MAX_LEN = 2048


def kernel(x, rel_pos_emb):
    batch, seq_len, d_model = x.shape
    info = plsc.get_sparse_core_info()
    nw = info.num_cores * info.num_subcores
    lanes = info.num_lanes
    s_per_w = seq_len // nw
    chunk = 32
    n_chunks = s_per_w // chunk
    groups = d_model // lanes
    n_rows = rel_pos_emb.shape[0]
    base = (_MAX_LEN - 1) // 8 * 8
    mesh = plsc.VectorSubcoreMesh(core_axis_name="c", subcore_axis_name="s")

    last_w = nw - 1
    last_win0 = base + last_w * s_per_w - 8
    tail_start = base + seq_len
    tail_len = n_rows - tail_start

    @functools.partial(
        pl.kernel,
        mesh=mesh,
        out_type=jax.ShapeDtypeStruct(x.shape, x.dtype),
        scratch_types=[
            pltpu.VMEM((s_per_w + 16, d_model), x.dtype),
            pltpu.VMEM((chunk, d_model), x.dtype),
        ],
    )
    def k(x_hbm, emb_hbm, out_hbm, emb_v, buf):
        wid = lax.axis_index("c") * info.num_subcores + lax.axis_index("s")
        s0 = wid * s_per_w

        @pl.when(wid != last_w)
        def _fetch_rows():
            win0 = pl.multiple_of(base + s0, 8)
            pltpu.sync_copy(
                emb_hbm.at[pl.ds(win0, s_per_w + 8), :],
                emb_v.at[pl.ds(0, s_per_w + 8), :],
            )

        @pl.when(wid == last_w)
        def _fetch_rows_last():
            pltpu.sync_copy(
                emb_hbm.at[pl.ds(last_win0, s_per_w + 8), :],
                emb_v.at[pl.ds(0, s_per_w + 8), :],
            )
            pltpu.sync_copy(
                emb_hbm.at[pl.ds(tail_start, tail_len), :],
                emb_v.at[pl.ds(s_per_w + 8, tail_len), :],
            )

        shift = lax.select(
            wid == last_w,
            _MAX_LEN - 1 + s0 - last_win0,
            (_MAX_LEN - 1) - base,
        )

        def outer(t, carry):
            b = t // n_chunks
            c = t % n_chunks
            pltpu.sync_copy(x_hbm.at[b, pl.ds(s0 + c * chunk, chunk), :], buf)

            @plsc.parallel_loop(0, chunk, 1, unroll=4)
            def row(r):
                er = shift + c * chunk + r
                for g in range(groups):
                    sl = pl.ds(g * lanes, lanes)
                    buf[r, sl] = buf[r, sl] + emb_v[er, sl]
            pltpu.sync_copy(buf, out_hbm.at[b, pl.ds(s0 + c * chunk, chunk), :])
            return carry

        lax.fori_loop(0, batch * n_chunks, outer, 0)

    return k(x, rel_pos_emb)

# --- scband reference (transcript-rebuilt; emitter-appended) ---
"""Pipeline reference for scband-relative-positional-encoding-68135361184142 (READ-ONLY COPY).

The authoritative reference and input builder live on the scoring server;
editing this copy changes nothing except your own understanding.
"""

import jax, jax.numpy as jnp
import numpy as np

D_MODEL = 1024
MAX_LEN = 2048

def setup_inputs(seed: int = 0) -> dict:
    key = jax.random.key(seed)
    k1, k2 = jax.random.split(key)
    x = jax.random.normal(k1, (4, 2048, D_MODEL), dtype=jnp.float32)
    rel_pos_emb = jax.random.normal(k2, (2 * MAX_LEN - 1, D_MODEL), dtype=jnp.float32)
    return {"x": x, "rel_pos_emb": rel_pos_emb}

def reference(x, rel_pos_emb):
    seq_len = x.shape[1]
    positions = jnp.arange(seq_len, dtype=jnp.int32) + (MAX_LEN - 1)
    pos_emb = jnp.take(rel_pos_emb, positions, axis=0)  # [S, d_model]
    out = x + pos_emb[None, :, :]
    # dropout is identity in eval mode
    return out

if __name__ == "__main__":
    import jax
    _d = setup_inputs()
    print(jax.jit(kernel)(*tuple(_d.values())))

</pallas_src>

<mosaic_0001>
#map = affine_map<(d0, d1) -> (0, 0, 0)>
#map1 = affine_map<(d0, d1) -> (0, 0)>
module attributes {stable_mosaic.version = 14 : i64} {
  func.func @k(%arg0: i32, %arg1: i32, %arg2: memref<4x2048x1024xf32, #tpu.memory_space<hbm>>, %arg3: memref<4095x1024xf32, #tpu.memory_space<hbm>>, %arg4: memref<4x2048x1024xf32, #tpu.memory_space<hbm>>, %arg5: memref<80x1024xf32, #tpu.memory_space<vmem>>, %arg6: memref<32x1024xf32, #tpu.memory_space<vmem>>) attributes {dimension_semantics = [#tpu.dimension_semantics<core_parallel>, #tpu.dimension_semantics<subcore_parallel>], iteration_bounds = array<i64: 2, 16>, scalar_prefetch = 0 : i64, scratch_operands = 2 : i64, tpu.core_type = #tpu.core_type<sc_vector_subcore>, window_params = [{transform_indices = #map}, {transform_indices = #map1}, {transform_indices = #map}]} {
    %mul3A = arith.constant 16 : i32
    %mul3A_0 = arith.muli %arg0, %mul3A : i32
    %add3A = arith.addi %mul3A_0, %arg1 : i32
    %mul3A_1 = arith.constant 64 : i32
    %mul3A_2 = arith.muli %add3A, %mul3A_1 : i32
    %ne3A = arith.constant 31 : i32
    %ne3A_3 = arith.cmpi ne, %add3A, %ne3A : i32
    %convert_element_type3A = arith.extui %ne3A_3 : i1 to i32
    %cond3A = arith.constant 0 : i32
    %cond3A_4 = arith.cmpi ne, %convert_element_type3A, %cond3A : i32
    scf.if %cond3A_4 {
      %add3A_20 = arith.constant 2040 : i32
      %add3A_21 = arith.addi %add3A_20, %mul3A_2 : i32
      %multiple_of3A = tpu.assume_multiple %add3A_21, 8 : i32
      "tpu.region"() ({
        %run_scoped3A = tpu.sem_alloc : memref<!tpu.dma_semaphore, #tpu.memory_space<semaphore_mem>>
        %dma_start3A = arith.constant 0 : i32
        %dma_start3A_22 = arith.constant 0 : i32
        %dma_start3A_23 = tpu.memref_slice %arg5[%dma_start3A, %dma_start3A_22] : memref<80x1024xf32, #tpu.memory_space<vmem>> -> memref<72x1024xf32, #tpu.memory_space<vmem>>
        %dma_start3A_24 = arith.constant 0 : i32
        %dma_start3A_25 = tpu.memref_slice %arg3[%multiple_of3A, %dma_start3A_24] : memref<4095x1024xf32, #tpu.memory_space<hbm>> -> memref<72x1024xf32, #tpu.memory_space<hbm>>
        %dma_start3A_26 = arith.constant 0 : i32
        %dma_start3A_27 = arith.constant 0 : i32
        %dma_start3A_28 = tpu.memref_slice %arg5[%dma_start3A_26, %dma_start3A_27] : memref<80x1024xf32, #tpu.memory_space<vmem>> -> memref<72x1024xf32, #tpu.memory_space<vmem>>
        %dma_start3A_29 = arith.constant 0 : i32
        %dma_start3A_30 = tpu.memref_slice %arg3[%multiple_of3A, %dma_start3A_29] : memref<4095x1024xf32, #tpu.memory_space<hbm>> -> memref<72x1024xf32, #tpu.memory_space<hbm>>
        tpu.enqueue_dma source(%dma_start3A_30 : memref<72x1024xf32, #tpu.memory_space<hbm>>) target(%dma_start3A_28 : memref<72x1024xf32, #tpu.memory_space<vmem>>) target_semaphore(%run_scoped3A : memref<!tpu.dma_semaphore, #tpu.memory_space<semaphore_mem>>)
        %dma_wait3A = arith.constant 0 : i32
        %dma_wait3A_31 = arith.constant 0 : i32
        %dma_wait3A_32 = tpu.memref_slice %arg5[%dma_wait3A, %dma_wait3A_31] : memref<80x1024xf32, #tpu.memory_space<vmem>> -> memref<72x1024xf32, #tpu.memory_space<vmem>>
        %dma_wait3A_33 = arith.constant 0 : i32
        %dma_wait3A_34 = tpu.memref_slice %arg3[%multiple_of3A, %dma_wait3A_33] : memref<4095x1024xf32, #tpu.memory_space<hbm>> -> memref<72x1024xf32, #tpu.memory_space<hbm>>
        %dma_wait3A_35 = arith.constant 0 : i32
        %dma_wait3A_36 = arith.constant 0 : i32
        %dma_wait3A_37 = tpu.memref_slice %arg5[%dma_wait3A_35, %dma_wait3A_36] : memref<80x1024xf32, #tpu.memory_space<vmem>> -> memref<72x1024xf32, #tpu.memory_space<vmem>>
        %dma_wait3A_38 = arith.constant 0 : i32
        %dma_wait3A_39 = tpu.memref_slice %arg3[%multiple_of3A, %dma_wait3A_38] : memref<4095x1024xf32, #tpu.memory_space<hbm>> -> memref<72x1024xf32, #tpu.memory_space<hbm>>
        tpu.wait_dma2 semaphore(%run_scoped3A : memref<!tpu.dma_semaphore, #tpu.memory_space<semaphore_mem>>) src(%dma_wait3A_39 : memref<72x1024xf32, #tpu.memory_space<hbm>>) dst(%dma_wait3A_37 : memref<72x1024xf32, #tpu.memory_space<vmem>>)
        tpu.yield
      }) : () -> ()
    } else {
    }
    %eq3A = arith.constant 31 : i32
    %eq3A_5 = arith.cmpi eq, %add3A, %eq3A : i32
    %convert_element_type3A_6 = arith.extui %eq3A_5 : i1 to i32
    %cond3A_7 = arith.constant 0 : i32
    %cond3A_8 = arith.cmpi ne, %convert_element_type3A_6, %cond3A_7 : i32
    scf.if %cond3A_8 {
      "tpu.region"() ({
        %run_scoped3A = tpu.sem_alloc : memref<!tpu.dma_semaphore, #tpu.memory_space<semaphore_mem>>
        %dma_start3A = arith.constant 0 : i32
        %dma_start3A_20 = arith.constant 0 : i32
        %dma_start3A_21 = tpu.memref_slice %arg5[%dma_start3A, %dma_start3A_20] : memref<80x1024xf32, #tpu.memory_space<vmem>> -> memref<72x1024xf32, #tpu.memory_space<vmem>>
        %dma_start3A_22 = arith.constant 4016 : i32
        %dma_start3A_23 = arith.constant 0 : i32
        %dma_start3A_24 = tpu.memref_slice %arg3[%dma_start3A_22, %dma_start3A_23] : memref<4095x1024xf32, #tpu.memory_space<hbm>> -> memref<72x1024xf32, #tpu.memory_space<hbm>>
        %dma_start3A_25 = arith.constant 0 : i32
        %dma_start3A_26 = arith.constant 0 : i32
        %dma_start3A_27 = tpu.memref_slice %arg5[%dma_start3A_25, %dma_start3A_26] : memref<80x1024xf32, #tpu.memory_space<vmem>> -> memref<72x1024xf32, #tpu.memory_space<vmem>>
        %dma_start3A_28 = arith.constant 4016 : i32
        %dma_start3A_29 = arith.constant 0 : i32
        %dma_start3A_30 = tpu.memref_slice %arg3[%dma_start3A_28, %dma_start3A_29] : memref<4095x1024xf32, #tpu.memory_space<hbm>> -> memref<72x1024xf32, #tpu.memory_space<hbm>>
        tpu.enqueue_dma source(%dma_start3A_30 : memref<72x1024xf32, #tpu.memory_space<hbm>>) target(%dma_start3A_27 : memref<72x1024xf32, #tpu.memory_space<vmem>>) target_semaphore(%run_scoped3A : memref<!tpu.dma_semaphore, #tpu.memory_space<semaphore_mem>>)
        %dma_wait3A = arith.constant 0 : i32
        %dma_wait3A_31 = arith.constant 0 : i32
        %dma_wait3A_32 = tpu.memref_slice %arg5[%dma_wait3A, %dma_wait3A_31] : memref<80x1024xf32, #tpu.memory_space<vmem>> -> memref<72x1024xf32, #tpu.memory_space<vmem>>
        %dma_wait3A_33 = arith.constant 4016 : i32
        %dma_wait3A_34 = arith.constant 0 : i32
        %dma_wait3A_35 = tpu.memref_slice %arg3[%dma_wait3A_33, %dma_wait3A_34] : memref<4095x1024xf32, #tpu.memory_space<hbm>> -> memref<72x1024xf32, #tpu.memory_space<hbm>>
        %dma_wait3A_36 = arith.constant 0 : i32
        %dma_wait3A_37 = arith.constant 0 : i32
        %dma_wait3A_38 = tpu.memref_slice %arg5[%dma_wait3A_36, %dma_wait3A_37] : memref<80x1024xf32, #tpu.memory_space<vmem>> -> memref<72x1024xf32, #tpu.memory_space<vmem>>
        %dma_wait3A_39 = arith.constant 4016 : i32
        %dma_wait3A_40 = arith.constant 0 : i32
        %dma_wait3A_41 = tpu.memref_slice %arg3[%dma_wait3A_39, %dma_wait3A_40] : memref<4095x1024xf32, #tpu.memory_space<hbm>> -> memref<72x1024xf32, #tpu.memory_space<hbm>>
        tpu.wait_dma2 semaphore(%run_scoped3A : memref<!tpu.dma_semaphore, #tpu.memory_space<semaphore_mem>>) src(%dma_wait3A_41 : memref<72x1024xf32, #tpu.memory_space<hbm>>) dst(%dma_wait3A_38 : memref<72x1024xf32, #tpu.memory_space<vmem>>)
        tpu.yield
      }) : () -> ()
      "tpu.region"() ({
        %run_scoped3A = tpu.sem_alloc : memref<!tpu.dma_semaphore, #tpu.memory_space<semaphore_mem>>
        %dma_start3A = arith.constant 72 : i32
        %dma_start3A_20 = arith.constant 0 : i32
        %dma_start3A_21 = tpu.memref_slice %arg5[%dma_start3A, %dma_start3A_20] : memref<80x1024xf32, #tpu.memory_space<vmem>> -> memref<7x1024xf32, #tpu.memory_space<vmem>>
        %dma_start3A_22 = arith.constant 4088 : i32
        %dma_start3A_23 = arith.constant 0 : i32
        %dma_start3A_24 = tpu.memref_slice %arg3[%dma_start3A_22, %dma_start3A_23] : memref<4095x1024xf32, #tpu.memory_space<hbm>> -> memref<7x1024xf32, #tpu.memory_space<hbm>>
        %dma_start3A_25 = arith.constant 72 : i32
        %dma_start3A_26 = arith.constant 0 : i32
        %dma_start3A_27 = tpu.memref_slice %arg5[%dma_start3A_25, %dma_start3A_26] : memref<80x1024xf32, #tpu.memory_space<vmem>> -> memref<7x1024xf32, #tpu.memory_space<vmem>>
        %dma_start3A_28 = arith.constant 4088 : i32
        %dma_start3A_29 = arith.constant 0 : i32
        %dma_start3A_30 = tpu.memref_slice %arg3[%dma_start3A_28, %dma_start3A_29] : memref<4095x1024xf32, #tpu.memory_space<hbm>> -> memref<7x1024xf32, #tpu.memory_space<hbm>>
        tpu.enqueue_dma source(%dma_start3A_30 : memref<7x1024xf32, #tpu.memory_space<hbm>>) target(%dma_start3A_27 : memref<7x1024xf32, #tpu.memory_space<vmem>>) target_semaphore(%run_scoped3A : memref<!tpu.dma_semaphore, #tpu.memory_space<semaphore_mem>>)
        %dma_wait3A = arith.constant 72 : i32
        %dma_wait3A_31 = arith.constant 0 : i32
        %dma_wait3A_32 = tpu.memref_slice %arg5[%dma_wait3A, %dma_wait3A_31] : memref<80x1024xf32, #tpu.memory_space<vmem>> -> memref<7x1024xf32, #tpu.memory_space<vmem>>
        %dma_wait3A_33 = arith.constant 4088 : i32
        %dma_wait3A_34 = arith.constant 0 : i32
        %dma_wait3A_35 = tpu.memref_slice %arg3[%dma_wait3A_33, %dma_wait3A_34] : memref<4095x1024xf32, #tpu.memory_space<hbm>> -> memref<7x1024xf32, #tpu.memory_space<hbm>>
        %dma_wait3A_36 = arith.constant 72 : i32
        %dma_wait3A_37 = arith.constant 0 : i32
        %dma_wait3A_38 = tpu.memref_slice %arg5[%dma_wait3A_36, %dma_wait3A_37] : memref<80x1024xf32, #tpu.memory_space<vmem>> -> memref<7x1024xf32, #tpu.memory_space<vmem>>
        %dma_wait3A_39 = arith.constant 4088 : i32
        %dma_wait3A_40 = arith.constant 0 : i32
        %dma_wait3A_41 = tpu.memref_slice %arg3[%dma_wait3A_39, %dma_wait3A_40] : memref<4095x1024xf32, #tpu.memory_space<hbm>> -> memref<7x1024xf32, #tpu.memory_space<hbm>>
        tpu.wait_dma2 semaphore(%run_scoped3A : memref<!tpu.dma_semaphore, #tpu.memory_space<semaphore_mem>>) src(%dma_wait3A_41 : memref<7x1024xf32, #tpu.memory_space<hbm>>) dst(%dma_wait3A_38 : memref<7x1024xf32, #tpu.memory_space<vmem>>)
        tpu.yield
      }) : () -> ()
    } else {
    }
    %eq3A_9 = arith.constant 31 : i32
    %eq3A_10 = arith.cmpi eq, %add3A, %eq3A_9 : i32
    %add3A_11 = arith.constant 2047 : i32
    %add3A_12 = arith.addi %add3A_11, %mul3A_2 : i32
    %sub3A = arith.constant 4016 : i32
    %sub3A_13 = arith.subi %add3A_12, %sub3A : i32
    %select_n3A = arith.constant 7 : i32
    %select_n3A_14 = arith.select %eq3A_10, %sub3A_13, %select_n3A : i32
    %scan3A = arith.constant 0 : i32
    %scan3A_15 = arith.constant 0 : i32
    %scan3A_16 = arith.constant 8 : i32
    %scan3A_17 = arith.addi %scan3A_15, %scan3A_16 : i32
    %scan3A_18 = arith.constant 1 : i32
    scf.for %scan3A_20 = %scan3A_15 to %scan3A_17 step %scan3A_18  : i32 {
      %jit3A = arith.constant 2 : i32
      %div3A = arith.divsi %scan3A_20, %jit3A : i32
      %sign3A = arith.constant 0 : i32
      %sign3A_21 = arith.cmpi sgt, %scan3A_20, %sign3A : i32
      %sign3A_22 = arith.extui %sign3A_21 : i1 to i32
      %sign3A_23 = arith.constant 0 : i32
      %sign3A_24 = arith.cmpi slt, %scan3A_20, %sign3A_23 : i32
      %sign3A_25 = arith.extui %sign3A_24 : i1 to i32
      %sign3A_26 = arith.subi %sign3A_22, %sign3A_25 : i32
      %sign3A_27 = arith.constant 0 : i32
      %sign3A_28 = arith.cmpi sgt, %jit3A, %sign3A_27 : i32
      %sign3A_29 = arith.extui %sign3A_28 : i1 to i32
      %sign3A_30 = arith.constant 0 : i32
      %sign3A_31 = arith.cmpi slt, %jit3A, %sign3A_30 : i32
      %sign3A_32 = arith.extui %sign3A_31 : i1 to i32
      %sign3A_33 = arith.subi %sign3A_29, %sign3A_32 : i32
      %ne3A_34 = arith.cmpi ne, %sign3A_26, %sign3A_33 : i32
      %rem3A = arith.remsi %scan3A_20, %jit3A : i32
      %ne3A_35 = arith.constant 0 : i32
      %ne3A_36 = arith.cmpi ne, %rem3A, %ne3A_35 : i32
      %and3A = arith.andi %ne3A_34, %ne3A_36 : i1
      %sub3A_37 = arith.constant 1 : i32
      %sub3A_38 = arith.subi %div3A, %sub3A_37 : i32
      %select_n3A_39 = arith.select %and3A, %sub3A_38, %div3A : i32
      %jit3A_40 = arith.constant 2 : i32
      %eq3A_41 = arith.constant 0 : i32
      %eq3A_42 = arith.cmpi eq, %jit3A_40, %eq3A_41 : i32
      %jit3A_43 = arith.constant 1 : i32
      %select_n3A_44 = arith.select %eq3A_42, %jit3A_43, %jit3A_40 : i32
      %rem3A_45 = arith.remsi %scan3A_20, %select_n3A_44 : i32
      %ne3A_46 = arith.constant 0 : i32
      %ne3A_47 = arith.cmpi ne, %rem3A_45, %ne3A_46 : i32
      %lt3A = arith.constant 0 : i32
      %lt3A_48 = arith.cmpi slt, %rem3A_45, %lt3A : i32
      %lt3A_49 = arith.constant 0 : i32
      %lt3A_50 = arith.cmpi slt, %select_n3A_44, %lt3A_49 : i32
      %ne3A_51 = arith.xori %lt3A_48, %lt3A_50 : i1
      %and3A_52 = arith.andi %ne3A_51, %ne3A_47 : i1
      %add3A_53 = arith.addi %rem3A_45, %select_n3A_44 : i32
      %select_n3A_54 = arith.select %and3A_52, %add3A_53, %rem3A_45 : i32
      %mul3A_55 = arith.constant 32 : i32
      %mul3A_56 = arith.muli %select_n3A_54, %mul3A_55 : i32
      %add3A_57 = arith.addi %mul3A_2, %mul3A_56 : i32
      "tpu.region"() ({
        %run_scoped3A = tpu.sem_alloc : memref<!tpu.dma_semaphore, #tpu.memory_space<semaphore_mem>>
        %dma_start3A = arith.constant 0 : i32
        %dma_start3A_63 = tpu.memref_slice %arg2[%select_n3A_39, %add3A_57, %dma_start3A] : memref<4x2048x1024xf32, #tpu.memory_space<hbm>> -> memref<1x32x1024xf32, #tpu.memory_space<hbm>>
        %dma_start3A_64 = tpu.memref_squeeze %dma_start3A_63 : memref<1x32x1024xf32, #tpu.memory_space<hbm>> -> memref<32x1024xf32, #tpu.memory_space<hbm>>
        %dma_start3A_65 = arith.constant 0 : i32
        %dma_start3A_66 = tpu.memref_slice %arg2[%select_n3A_39, %add3A_57, %dma_start3A_65] : memref<4x2048x1024xf32, #tpu.memory_space<hbm>> -> memref<1x32x1024xf32, #tpu.memory_space<hbm>>
        %dma_start3A_67 = tpu.memref_squeeze %dma_start3A_66 : memref<1x32x1024xf32, #tpu.memory_space<hbm>> -> memref<32x1024xf32, #tpu.memory_space<hbm>>
        tpu.enqueue_dma source(%dma_start3A_67 : memref<32x1024xf32, #tpu.memory_space<hbm>>) target(%arg6 : memref<32x1024xf32, #tpu.memory_space<vmem>>) target_semaphore(%run_scoped3A : memref<!tpu.dma_semaphore, #tpu.memory_space<semaphore_mem>>)
        %dma_wait3A = arith.constant 0 : i32
        %dma_wait3A_68 = tpu.memref_slice %arg2[%select_n3A_39, %add3A_57, %dma_wait3A] : memref<4x2048x1024xf32, #tpu.memory_space<hbm>> -> memref<1x32x1024xf32, #tpu.memory_space<hbm>>
        %dma_wait3A_69 = tpu.memref_squeeze %dma_wait3A_68 : memref<1x32x1024xf32, #tpu.memory_space<hbm>> -> memref<32x1024xf32, #tpu.memory_space<hbm>>
        %dma_wait3A_70 = arith.constant 0 : i32
        %dma_wait3A_71 = tpu.memref_slice %arg2[%select_n3A_39, %add3A_57, %dma_wait3A_70] : memref<4x2048x1024xf32, #tpu.memory_space<hbm>> -> memref<1x32x1024xf32, #tpu.memory_space<hbm>>
        %dma_wait3A_72 = tpu.memref_squeeze %dma_wait3A_71 : memref<1x32x1024xf32, #tpu.memory_space<hbm>> -> memref<32x1024xf32, #tpu.memory_space<hbm>>
        tpu.wait_dma2 semaphore(%run_scoped3A : memref<!tpu.dma_semaphore, #tpu.memory_space<semaphore_mem>>) src(%dma_wait3A_72 : memref<32x1024xf32, #tpu.memory_space<hbm>>) dst(%arg6 : memref<32x1024xf32, #tpu.memory_space<vmem>>)
        tpu.yield
      }) : () -> ()
      %parallel_loop3A = arith.constant 0 : i32
      %parallel_loop3A_58 = arith.constant 32 : i32
      %parallel_loop3A_59 = arith.constant 1 : i32
      scf.for %parallel_loop3A_63 = %parallel_loop3A to %parallel_loop3A_58 step %parallel_loop3A_59  : i32 {
        %parallel_loop3A_64 = arith.constant 32 : i32
        %parallel_loop3A_65 = arith.muli %select_n3A_54, %parallel_loop3A_64 : i32
        %parallel_loop3A_66 = arith.addi %select_n3A_14, %parallel_loop3A_65 : i32
        %parallel_loop3A_67 = arith.addi %parallel_loop3A_66, %parallel_loop3A_63 : i32
        %parallel_loop3A_68 = arith.index_cast %parallel_loop3A_63 : i32 to index
        %parallel_loop3A_69 = arith.constant 0 : index
        %parallel_loop3A_70 = tpu.vector_load %arg6[%parallel_loop3A_68, %parallel_loop3A_69] {strides = array<i32>} : memref<32x1024xf32, #tpu.memory_space<vmem>>, vector<1x16xf32>,
        %parallel_loop3A_71 = vector.shape_cast %parallel_loop3A_70 : vector<1x16xf32> to vector<16xf32>
        %parallel_loop3A_72 = arith.index_cast %parallel_loop3A_67 : i32 to index
        %parallel_loop3A_73 = arith.constant 0 : index
        %parallel_loop3A_74 = tpu.vector_load %arg5[%parallel_loop3A_72, %parallel_loop3A_73] {strides = array<i32>} : memref<80x1024xf32, #tpu.memory_space<vmem>>, vector<1x16xf32>,
        %parallel_loop3A_75 = vector.shape_cast %parallel_loop3A_74 : vector<1x16xf32> to vector<16xf32>
        %parallel_loop3A_76 = arith.addf %parallel_loop3A_71, %parallel_loop3A_75 : vector<16xf32>
        %parallel_loop3A_77 = arith.index_cast %parallel_loop3A_63 : i32 to index
        %parallel_loop3A_78 = arith.constant 0 : index
        %parallel_loop3A_79 = tpu.vector_load %arg6[%parallel_loop3A_77, %parallel_loop3A_78] {strides = array<i32>} : memref<32x1024xf32, #tpu.memory_space<vmem>>, vector<1x16xf32>,
        %parallel_loop3A_80 = vector.shape_cast %parallel_loop3A_79 : vector<1x16xf32> to vector<16xf32>
        %parallel_loop3A_81 = vector.shape_cast %parallel_loop3A_76 : vector<16xf32> to vector<1x16xf32>
        tpu.vector_store %arg6[%parallel_loop3A_77, %parallel_loop3A_78], %parallel_loop3A_81 {strides = array<i32>} : memref<32x1024xf32, #tpu.memory_space<vmem>>, vector<1x16xf32>,
        %parallel_loop3A_82 = arith.index_cast %parallel_loop3A_63 : i32 to index
        %parallel_loop3A_83 = arith.constant 16 : index
        %parallel_loop3A_84 = tpu.vector_load %arg6[%parallel_loop3A_82, %parallel_loop3A_83] {strides = array<i32>} : memref<32x1024xf32, #tpu.memory_space<vmem>>, vector<1x16xf32>,
        %parallel_loop3A_85 = vector.shape_cast %parallel_loop3A_84 : vector<1x16xf32> to vector<16xf32>
        %parallel_loop3A_86 = arith.index_cast %parallel_loop3A_67 : i32 to index
        %parallel_loop3A_87 = arith.constant 16 : index
        %parallel_loop3A_88 = tpu.vector_load %arg5[%parallel_loop3A_86, %parallel_loop3A_87] {strides = array<i32>} : memref<80x1024xf32, #tpu.memory_space<vmem>>, vector<1x16xf32>,
        %parallel_loop3A_89 = vector.shape_cast %parallel_loop3A_88 : vector<1x16xf32> to vector<16xf32>
        %parallel_loop3A_90 = arith.addf %parallel_loop3A_85, %parallel_loop3A_89 : vector<16xf32>
        %parallel_loop3A_91 = arith.index_cast %parallel_loop3A_63 : i32 to index
        %parallel_loop3A_92 = arith.constant 16 : index
        %parallel_loop3A_93 = tpu.vector_load %arg6[%parallel_loop3A_91, %parallel_loop3A_92] {strides = array<i32>} : memref<32x1024xf32, #tpu.memory_space<vmem>>, vector<1x16xf32>,
        %parallel_loop3A_94 = vector.shape_cast %parallel_loop3A_93 : vector<1x16xf32> to vector<16xf32>
        %parallel_loop3A_95 = vector.shape_cast %parallel_loop3A_90 : vector<16xf32> to vector<1x16xf32>
        tpu.vector_store %arg6[%parallel_loop3A_91, %parallel_loop3A_92], %parallel_loop3A_95 {strides = array<i32>} : memref<32x1024xf32, #tpu.memory_space<vmem>>, vector<1x16xf32>,
        %parallel_loop3A_96 = arith.index_cast %parallel_loop3A_63 : i32 to index
        %parallel_loop3A_97 = arith.constant 32 : index
        %parallel_loop3A_98 = tpu.vector_load %arg6[%parallel_loop3A_96, %parallel_loop3A_97] {strides = array<i32>} : memref<32x1024xf32, #tpu.memory_space<vmem>>, vector<1x16xf32>,
        %parallel_loop3A_99 = vector.shape_cast %parallel_loop3A_98 : vector<1x16xf32> to vector<16xf32>
        %parallel_loop3A_100 = arith.index_cast %parallel_loop3A_67 : i32 to index
        %parallel_loop3A_101 = arith.constant 32 : index
        %parallel_loop3A_102 = tpu.vector_load %arg5[%parallel_loop3A_100, %parallel_loop3A_101] {strides = array<i32>} : memref<80x1024xf32, #tpu.memory_space<vmem>>, vector<1x16xf32>,
        %parallel_loop3A_103 = vector.shape_cast %parallel_loop3A_102 : vector<1x16xf32> to vector<16xf32>
        %parallel_loop3A_104 = arith.addf %parallel_loop3A_99, %parallel_loop3A_103 : vector<16xf32>
        %parallel_loop3A_105 = arith.index_cast %parallel_loop3A_63 : i32 to index
        %parallel_loop3A_106 = arith.constant 32 : index
        %parallel_loop3A_107 = tpu.vector_load %arg6[%parallel_loop3A_105, %parallel_loop3A_106] {strides = array<i32>} : memref<32x1024xf32, #tpu.memory_space<vmem>>, vector<1x16xf32>,
        %parallel_loop3A_108 = vector.shape_cast %parallel_loop3A_107 : vector<1x16xf32> to vector<16xf32>
        %parallel_loop3A_109 = vector.shape_cast %parallel_loop3A_104 : vector<16xf32> to vector<1x16xf32>
        tpu.vector_store %arg6[%parallel_loop3A_105, %parallel_loop3A_106], %parallel_loop3A_109 {strides = array<i32>} : memref<32x1024xf32, #tpu.memory_space<vmem>>, vector<1x16xf32>,
        %parallel_loop3A_110 = arith.index_cast %parallel_loop3A_63 : i32 to index
        %parallel_loop3A_111 = arith.constant 48 : index
        %parallel_loop3A_112 = tpu.vector_load %arg6[%parallel_loop3A_110, %parallel_loop3A_111] {strides = array<i32>} : memref<32x1024xf32, #tpu.memory_space<vmem>>, vector<1x16xf32>,
        %parallel_loop3A_113 = vector.shape_cast %parallel_loop3A_112 : vector<1x16xf32> to vector<16xf32>
        %parallel_loop3A_114 = arith.index_cast %parallel_loop3A_67 : i32 to index
        %parallel_loop3A_115 = arith.constant 48 : index
        %parallel_loop3A_116 = tpu.vector_load %arg5[%parallel_loop3A_114, %parallel_loop3A_115] {strides = array<i32>} : memref<80x1024xf32, #tpu.memory_space<vmem>>, vector<1x16xf32>,
        %parallel_loop3A_117 = vector.shape_cast %parallel_loop3A_116 : vector<1x16xf32> to vector<16xf32>
        %parallel_loop3A_118 = arith.addf %parallel_loop3A_113, %parallel_loop3A_117 : vector<16xf32>
        %parallel_loop3A_119 = arith.index_cast %parallel_loop3A_63 : i32 to index
        %parallel_loop3A_120 = arith.constant 48 : index
        %parallel_loop3A_121 = tpu.vector_load %arg6[%parallel_loop3A_119, %parallel_loop3A_120] {strides = array<i32>} : memref<32x1024xf32, #tpu.memory_space<vmem>>, vector<1x16xf32>,
        %parallel_loop3A_122 = vector.shape_cast %parallel_loop3A_121 : vector<1x16xf32> to vector<16xf32>
        %parallel_loop3A_123 = vector.shape_cast %parallel_loop3A_118 : vector<16xf32> to vector<1x16xf32>
        tpu.vector_store %arg6[%parallel_loop3A_119, %parallel_loop3A_120], %parallel_loop3A_123 {strides = array<i32>} : memref<32x1024xf32, #tpu.memory_space<vmem>>, vector<1x16xf32>,
        %parallel_loop3A_124 = arith.index_cast %parallel_loop3A_63 : i32 to index
        %parallel_loop3A_125 = arith.constant 64 : index
        %parallel_loop3A_126 = tpu.vector_load %arg6[%parallel_loop3A_124, %parallel_loop3A_125] {strides = array<i32>} : memref<32x1024xf32, #tpu.memory_space<vmem>>, vector<1x16xf32>,
        %parallel_loop3A_127 = vector.shape_cast %parallel_loop3A_126 : vector<1x16xf32> to vector<16xf32>
        %parallel_loop3A_128 = arith.index_cast %parallel_loop3A_67 : i32 to index
        %parallel_loop3A_129 = arith.constant 64 : index
        %parallel_loop3A_130 = tpu.vector_load %arg5[%parallel_loop3A_128, %parallel_loop3A_129] {strides = array<i32>} : memref<80x1024xf32, #tpu.memory_space<vmem>>, vector<1x16xf32>,
        %parallel_loop3A_131 = vector.shape_cast %parallel_loop3A_130 : vector<1x16xf32> to vector<16xf32>
        %parallel_loop3A_132 = arith.addf %parallel_loop3A_127, %parallel_loop3A_131 : vector<16xf32>
        %parallel_loop3A_133 = arith.index_cast %parallel_loop3A_63 : i32 to index
        %parallel_loop3A_134 = arith.constant 64 : index
        %parallel_loop3A_135 = tpu.vector_load %arg6[%parallel_loop3A_133, %parallel_loop3A_134] {strides = array<i32>} : memref<32x1024xf32, #tpu.memory_space<vmem>>, vector<1x16xf32>,
        %parallel_loop3A_136 = vector.shape_cast %parallel_loop3A_135 : vector<1x16xf32> to vector<16xf32>
        %parallel_loop3A_137 = vector.shape_cast %parallel_loop3A_132 : vector<16xf32> to vector<1x16xf32>
        tpu.vector_store %arg6[%parallel_loop3A_133, %parallel_loop3A_134], %parallel_loop3A_137 {strides = array<i32>} : memref<32x1024xf32, #tpu.memory_space<vmem>>, vector<1x16xf32>,
        %parallel_loop3A_138 = arith.index_cast %parallel_loop3A_63 : i32 to index
        %parallel_loop3A_139 = arith.constant 80 : index
        %parallel_loop3A_140 = tpu.vector_load %arg6[%parallel_loop3A_138, %parallel_loop3A_139] {strides = array<i32>} : memref<32x1024xf32, #tpu.memory_space<vmem>>, vector<1x16xf32>,
        %parallel_loop3A_141 = vector.shape_cast %parallel_loop3A_140 : vector<1x16xf32> to vector<16xf32>
        %parallel_loop3A_142 = arith.index_cast %parallel_loop3A_67 : i32 to index
        %parallel_loop3A_143 = arith.constant 80 : index
        %parallel_loop3A_144 = tpu.vector_load %arg5[%parallel_loop3A_142, %parallel_loop3A_143] {strides = array<i32>} : memref<80x1024xf32, #tpu.memory_space<vmem>>, vector<1x16xf32>,
        %parallel_loop3A_145 = vector.shape_cast %parallel_loop3A_144 : vector<1x16xf32> to vector<16xf32>
        %parallel_loop3A_146 = arith.addf %parallel_loop3A_141, %parallel_loop3A_145 : vector<16xf32>
        %parallel_loop3A_147 = arith.index_cast %parallel_loop3A_63 : i32 to index
        %parallel_loop3A_148 = arith.constant 80 : index
        %parallel_loop3A_149 = tpu.vector_load %arg6[%parallel_loop3A_147, %parallel_loop3A_148] {strides = array<i32>} : memref<32x1024xf32, #tpu.memory_space<vmem>>, vector<1x16xf32>,
        %parallel_loop3A_150 = vector.shape_cast %parallel_loop3A_149 : vector<1x16xf32> to vector<16xf32>
        %parallel_loop3A_151 = vector.shape_cast %parallel_loop3A_146 : vector<16xf32> to vector<1x16xf32>
        tpu.vector_store %arg6[%parallel_loop3A_147, %parallel_loop3A_148], %parallel_loop3A_151 {strides = array<i32>} : memref<32x1024xf32, #tpu.memory_space<vmem>>, vector<1x16xf32>,
        %parallel_loop3A_152 = arith.index_cast %parallel_loop3A_63 : i32 to index
        %parallel_loop3A_153 = arith.constant 96 : index
        %parallel_loop3A_154 = tpu.vector_load %arg6[%parallel_loop3A_152, %parallel_loop3A_153] {strides = array<i32>} : memref<32x1024xf32, #tpu.memory_space<vmem>>, vector<1x16xf32>,
        %parallel_loop3A_155 = vector.shape_cast %parallel_loop3A_154 : vector<1x16xf32> to vector<16xf32>
        %parallel_loop3A_156 = arith.index_cast %parallel_loop3A_67 : i32 to index
        %parallel_loop3A_157 = arith.constant 96 : index
        %parallel_loop3A_158 = tpu.vector_load %arg5[%parallel_loop3A_156, %parallel_loop3A_157] {strides = array<i32>} : memref<80x1024xf32, #tpu.memory_space<vmem>>, vector<1x16xf32>,
        %parallel_loop3A_159 = vector.shape_cast %parallel_loop3A_158 : vector<1x16xf32> to vector<16xf32>
        %parallel_loop3A_160 = arith.addf %parallel_loop3A_155, %parallel_loop3A_159 : vector<16xf32>
        %parallel_loop3A_161 = arith.index_cast %parallel_loop3A_63 : i32 to index
        %parallel_loop3A_162 = arith.constant 96 : index
        %parallel_loop3A_163 = tpu.vector_load %arg6[%parallel_loop3A_161, %parallel_loop3A_162] {strides = array<i32>} : memref<32x1024xf32, #tpu.memory_space<vmem>>, vector<1x16xf32>,
        %parallel_loop3A_164 = vector.shape_cast %parallel_loop3A_163 : vector<1x16xf32> to vector<16xf32>
        %parallel_loop3A_165 = vector.shape_cast %parallel_loop3A_160 : vector<16xf32> to vector<1x16xf32>
        tpu.vector_store %arg6[%parallel_loop3A_161, %parallel_loop3A_162], %parallel_loop3A_165 {strides = array<i32>} : memref<32x1024xf32, #tpu.memory_space<vmem>>, vector<1x16xf32>,
        %parallel_loop3A_166 = arith.index_cast %parallel_loop3A_63 : i32 to index
        %parallel_loop3A_167 = arith.constant 112 : index
        %parallel_loop3A_168 = tpu.vector_load %arg6[%parallel_loop3A_166, %parallel_loop3A_167] {strides = array<i32>} : memref<32x1024xf32, #tpu.memory_space<vmem>>, vector<1x16xf32>,
        %parallel_loop3A_169 = vector.shape_cast %parallel_loop3A_168 : vector<1x16xf32> to vector<16xf32>
        %parallel_loop3A_170 = arith.index_cast %parallel_loop3A_67 : i32 to index
        %parallel_loop3A_171 = arith.constant 112 : index
        %parallel_loop3A_172 = tpu.vector_load %arg5[%parallel_loop3A_170, %parallel_loop3A_171] {strides = array<i32>} : memref<80x1024xf32, #tpu.memory_space<vmem>>, vector<1x16xf32>,
        %parallel_loop3A_173 = vector.shape_cast %parallel_loop3A_172 : vector<1x16xf32> to vector<16xf32>
        %parallel_loop3A_174 = arith.addf %parallel_loop3A_169, %parallel_loop3A_173 : vector<16xf32>
        %parallel_loop3A_175 = arith.index_cast %parallel_loop3A_63 : i32 to index
        %parallel_loop3A_176 = arith.constant 112 : index
        %parallel_loop3A_177 = tpu.vector_load %arg6[%parallel_loop3A_175, %parallel_loop3A_176] {strides = array<i32>} : memref<32x1024xf32, #tpu.memory_space<vmem>>, vector<1x16xf32>,
        %parallel_loop3A_178 = vector.shape_cast %parallel_loop3A_177 : vector<1x16xf32> to vector<16xf32>
        %parallel_loop3A_179 = vector.shape_cast %parallel_loop3A_174 : vector<16xf32> to vector<1x16xf32>
        tpu.vector_store %arg6[%parallel_loop3A_175, %parallel_loop3A_176], %parallel_loop3A_179 {strides = array<i32>} : memref<32x1024xf32, #tpu.memory_space<vmem>>, vector<1x16xf32>,
        %parallel_loop3A_180 = arith.index_cast %parallel_loop3A_63 : i32 to index
        %parallel_loop3A_181 = arith.constant 128 : index
        %parallel_loop3A_182 = tpu.vector_load %arg6[%parallel_loop3A_180, %parallel_loop3A_181] {strides = array<i32>} : memref<32x1024xf32, #tpu.memory_space<vmem>>, vector<1x16xf32>,
        %parallel_loop3A_183 = vector.shape_cast %parallel_loop3A_182 : vector<1x16xf32> to vector<16xf32>
        %parallel_loop3A_184 = arith.index_cast %parallel_loop3A_67 : i32 to index
        %parallel_loop3A_185 = arith.constant 128 : index
        %parallel_loop3A_186 = tpu.vector_load %arg5[%parallel_loop3A_184, %parallel_loop3A_185] {strides = array<i32>} : memref<80x1024xf32, #tpu.memory_space<vmem>>, vector<1x16xf32>,
        %parallel_loop3A_187 = vector.shape_cast %parallel_loop3A_186 : vector<1x16xf32> to vector<16xf32>
        %parallel_loop3A_188 = arith.addf %parallel_loop3A_183, %parallel_loop3A_187 : vector<16xf32>
        %parallel_loop3A_189 = arith.index_cast %parallel_loop3A_63 : i32 to index
        %parallel_loop3A_190 = arith.constant 128 : index
        %parallel_loop3A_191 = tpu.vector_load %arg6[%parallel_loop3A_189, %parallel_loop3A_190] {strides = array<i32>} : memref<32x1024xf32, #tpu.memory_space<vmem>>, vector<1x16xf32>,
        %parallel_loop3A_192 = vector.shape_cast %parallel_loop3A_191 : vector<1x16xf32> to vector<16xf32>
        %parallel_loop3A_193 = vector.shape_cast %parallel_loop3A_188 : vector<16xf32> to vector<1x16xf32>
        tpu.vector_store %arg6[%parallel_loop3A_189, %parallel_loop3A_190], %parallel_loop3A_193 {strides = array<i32>} : memref<32x1024xf32, #tpu.memory_space<vmem>>, vector<1x16xf32>,
        %parallel_loop3A_194 = arith.index_cast %parallel_loop3A_63 : i32 to index
        %parallel_loop3A_195 = arith.constant 144 : index
        %parallel_loop3A_196 = tpu.vector_load %arg6[%parallel_loop3A_194, %parallel_loop3A_195] {strides = array<i32>} : memref<32x1024xf32, #tpu.memory_space<vmem>>, vector<1x16xf32>,
        %parallel_loop3A_197 = vector.shape_cast %parallel_loop3A_196 : vector<1x16xf32> to vector<16xf32>
        %parallel_loop3A_198 = arith.index_cast %parallel_loop3A_67 : i32 to index
        %parallel_loop3A_199 = arith.constant 144 : index
        %parallel_loop3A_200 = tpu.vector_load %arg5[%parallel_loop3A_198, %parallel_loop3A_199] {strides = array<i32>} : memref<80x1024xf32, #tpu.memory_space<vmem>>, vector<1x16xf32>,
        %parallel_loop3A_201 = vector.shape_cast %parallel_loop3A_200 : vector<1x16xf32> to vector<16xf32>
        %parallel_loop3A_202 = arith.addf %parallel_loop3A_197, %parallel_loop3A_201 : vector<16xf32>
        %parallel_loop3A_203 = arith.index_cast %parallel_loop3A_63 : i32 to index
        %parallel_loop3A_204 = arith.constant 144 : index
        %parallel_loop3A_205 = tpu.vector_load %arg6[%parallel_loop3A_203, %parallel_loop3A_204] {strides = array<i32>} : memref<32x1024xf32, #tpu.memory_space<vmem>>, vector<1x16xf32>,
        %parallel_loop3A_206 = vector.shape_cast %parallel_loop3A_205 : vector<1x16xf32> to vector<16xf32>
        %parallel_loop3A_207 = vector.shape_cast %parallel_loop3A_202 : vector<16xf32> to vector<1x16xf32>
        tpu.vector_store %arg6[%parallel_loop3A_203, %parallel_loop3A_204], %parallel_loop3A_207 {strides = array<i32>} : memref<32x1024xf32, #tpu.memory_space<vmem>>, vector<1x16xf32>,
        %parallel_loop3A_208 = arith.index_cast %parallel_loop3A_63 : i32 to index
        %parallel_loop3A_209 = arith.constant 160 : index
        %parallel_loop3A_210 = tpu.vector_load %arg6[%parallel_loop3A_208, %parallel_loop3A_209] {strides = array<i32>} : memref<32x1024xf32, #tpu.memory_space<vmem>>, vector<1x16xf32>,
        %parallel_loop3A_211 = vector.shape_cast %parallel_loop3A_210 : vector<1x16xf32> to vector<16xf32>
        %parallel_loop3A_212 = arith.index_cast %parallel_loop3A_67 : i32 to index
        %parallel_loop3A_213 = arith.constant 160 : index
        %parallel_loop3A_214 = tpu.vector_load %arg5[%parallel_loop3A_212, %parallel_loop3A_213] {strides = array<i32>} : memref<80x1024xf32, #tpu.memory_space<vmem>>, vector<1x16xf32>,
        %parallel_loop3A_215 = vector.shape_cast %parallel_loop3A_214 : vector<1x16xf32> to vector<16xf32>
        %parallel_loop3A_216 = arith.addf %parallel_loop3A_211, %parallel_loop3A_215 : vector<16xf32>
        %parallel_loop3A_217 = arith.index_cast %parallel_loop3A_63 : i32 to index
        %parallel_loop3A_218 = arith.constant 160 : index
        %parallel_loop3A_219 = tpu.vector_load %arg6[%parallel_loop3A_217, %parallel_loop3A_218] {strides = array<i32>} : memref<32x1024xf32, #tpu.memory_space<vmem>>, vector<1x16xf32>,
        %parallel_loop3A_220 = vector.shape_cast %parallel_loop3A_219 : vector<1x16xf32> to vector<16xf32>
        %parallel_loop3A_221 = vector.shape_cast %parallel_loop3A_216 : vector<16xf32> to vector<1x16xf32>
        tpu.vector_store %arg6[%parallel_loop3A_217, %parallel_loop3A_218], %parallel_loop3A_221 {strides = array<i32>} : memref<32x1024xf32, #tpu.memory_space<vmem>>, vector<1x16xf32>,
        %parallel_loop3A_222 = arith.index_cast %parallel_loop3A_63 : i32 to index
        %parallel_loop3A_223 = arith.constant 176 : index
        %parallel_loop3A_224 = tpu.vector_load %arg6[%parallel_loop3A_222, %parallel_loop3A_223] {strides = array<i32>} : memref<32x1024xf32, #tpu.memory_space<vmem>>, vector<1x16xf32>,
        %parallel_loop3A_225 = vector.shape_cast %parallel_loop3A_224 : vector<1x16xf32> to vector<16xf32>
        %parallel_loop3A_226 = arith.index_cast %parallel_loop3A_67 : i32 to index
        %parallel_loop3A_227 = arith.constant 176 : index
        %parallel_loop3A_228 = tpu.vector_load %arg5[%parallel_loop3A_226, %parallel_loop3A_227] {strides = array<i32>} : memref<80x1024xf32, #tpu.memory_space<vmem>>, vector<1x16xf32>,
        %parallel_loop3A_229 = vector.shape_cast %parallel_loop3A_228 : vector<1x16xf32> to vector<16xf32>
        %parallel_loop3A_230 = arith.addf %parallel_loop3A_225, %parallel_loop3A_229 : vector<16xf32>
        %parallel_loop3A_231 = arith.index_cast %parallel_loop3A_63 : i32 to index
        %parallel_loop3A_232 = arith.constant 176 : index
        %parallel_loop3A_233 = tpu.vector_load %arg6[%parallel_loop3A_231, %parallel_loop3A_232] {strides = array<i32>} : memref<32x1024xf32, #tpu.memory_space<vmem>>, vector<1x16xf32>,
        %parallel_loop3A_234 = vector.shape_cast %parallel_loop3A_233 : vector<1x16xf32> to vector<16xf32>
        %parallel_loop3A_235 = vector.shape_cast %parallel_loop3A_230 : vector<16xf32> to vector<1x16xf32>
        tpu.vector_store %arg6[%parallel_loop3A_231, %parallel_loop3A_232], %parallel_loop3A_235 {strides = array<i32>} : memref<32x1024xf32, #tpu.memory_space<vmem>>, vector<1x16xf32>,
        %parallel_loop3A_236 = arith.index_cast %parallel_loop3A_63 : i32 to index
        %parallel_loop3A_237 = arith.constant 192 : index
        %parallel_loop3A_238 = tpu.vector_load %arg6[%parallel_loop3A_236, %parallel_loop3A_237] {strides = array<i32>} : memref<32x1024xf32, #tpu.memory_space<vmem>>, vector<1x16xf32>,
        %parallel_loop3A_239 = vector.shape_cast %parallel_loop3A_238 : vector<1x16xf32> to vector<16xf32>
        %parallel_loop3A_240 = arith.index_cast %parallel_loop3A_67 : i32 to index
        %parallel_loop3A_241 = arith.constant 192 : index
        %parallel_loop3A_242 = tpu.vector_load %arg5[%parallel_loop3A_240, %parallel_loop3A_241] {strides = array<i32>} : memref<80x1024xf32, #tpu.memory_space<vmem>>, vector<1x16xf32>,
        %parallel_loop3A_243 = vector.shape_cast %parallel_loop3A_242 : vector<1x16xf32> to vector<16xf32>
        %parallel_loop3A_244 = arith.addf %parallel_loop3A_239, %parallel_loop3A_243 : vector<16xf32>
        %parallel_loop3A_245 = arith.index_cast %parallel_loop3A_63 : i32 to index
        %parallel_loop3A_246 = arith.constant 192 : index
        %parallel_loop3A_247 = tpu.vector_load %arg6[%parallel_loop3A_245, %parallel_loop3A_246] {strides = array<i32>} : memref<32x1024xf32, #tpu.memory_space<vmem>>, vector<1x16xf32>,
        %parallel_loop3A_248 = vector.shape_cast %parallel_loop3A_247 : vector<1x16xf32> to vector<16xf32>
        %parallel_loop3A_249 = vector.shape_cast %parallel_loop3A_244 : vector<16xf32> to vector<1x16xf32>
        tpu.vector_store %arg6[%parallel_loop3A_245, %parallel_loop3A_246], %parallel_loop3A_249 {strides = array<i32>} : memref<32x1024xf32, #tpu.memory_space<vmem>>, vector<1x16xf32>,
        %parallel_loop3A_250 = arith.index_cast %parallel_loop3A_63 : i32 to index
        %parallel_loop3A_251 = arith.constant 208 : index
        %parallel_loop3A_252 = tpu.vector_load %arg6[%parallel_loop3A_250, %parallel_loop3A_251] {strides = array<i32>} : memref<32x1024xf32, #tpu.memory_space<vmem>>, vector<1x16xf32>,
        %parallel_loop3A_253 = vector.shape_cast %parallel_loop3A_252 : vector<1x16xf32> to vector<16xf32>
        %parallel_loop3A_254 = arith.index_cast %parallel_loop3A_67 : i32 to index
        %parallel_loop3A_255 = arith.constant 208 : index
        %parallel_loop3A_256 = tpu.vector_load %arg5[%parallel_loop3A_254, %parallel_loop3A_255] {strides = array<i32>} : memref<80x1024xf32, #tpu.memory_space<vmem>>, vector<1x16xf32>,
        %parallel_loop3A_257 = vector.shape_cast %parallel_loop3A_256 : vector<1x16xf32> to vector<16xf32>
        %parallel_loop3A_258 = arith.addf %parallel_loop3A_253, %parallel_loop3A_257 : vector<16xf32>
        %parallel_loop3A_259 = arith.index_cast %parallel_loop3A_63 : i32 to index
        %parallel_loop3A_260 = arith.constant 208 : index
        %parallel_loop3A_261 = tpu.vector_load %arg6[%parallel_loop3A_259, %parallel_loop3A_260] {strides = array<i32>} : memref<32x1024xf32, #tpu.memory_space<vmem>>, vector<1x16xf32>,
        %parallel_loop3A_262 = vector.shape_cast %parallel_loop3A_261 : vector<1x16xf32> to vector<16xf32>
        %parallel_loop3A_263 = vector.shape_cast %parallel_loop3A_258 : vector<16xf32> to vector<1x16xf32>
        tpu.vector_store %arg6[%parallel_loop3A_259, %parallel_loop3A_260], %parallel_loop3A_263 {strides = array<i32>} : memref<32x1024xf32, #tpu.memory_space<vmem>>, vector<1x16xf32>,
        %parallel_loop3A_264 = arith.index_cast %parallel_loop3A_63 : i32 to index
        %parallel_loop3A_265 = arith.constant 224 : index
        %parallel_loop3A_266 = tpu.vector_load %arg6[%parallel_loop3A_264, %parallel_loop3A_265] {strides = array<i32>} : memref<32x1024xf32, #tpu.memory_space<vmem>>, vector<1x16xf32>,
        %parallel_loop3A_267 = vector.shape_cast %parallel_loop3A_266 : vector<1x16xf32> to vector<16xf32>
        %parallel_loop3A_268 = arith.index_cast %parallel_loop3A_67 : i32 to index
        %parallel_loop3A_269 = arith.constant 224 : index
        %parallel_loop3A_270 = tpu.vector_load %arg5[%parallel_loop3A_268, %parallel_loop3A_269] {strides = array<i32>} : memref<80x1024xf32, #tpu.memory_space<vmem>>, vector<1x16xf32>,
        %parallel_loop3A_271 = vector.shape_cast %parallel_loop3A_270 : vector<1x16xf32> to vector<16xf32>
        %parallel_loop3A_272 = arith.addf %parallel_loop3A_267, %parallel_loop3A_271 : vector<16xf32>
        %parallel_loop3A_273 = arith.index_cast %parallel_loop3A_63 : i32 to index
        %parallel_loop3A_274 = arith.constant 224 : index
        %parallel_loop3A_275 = tpu.vector_load %arg6[%parallel_loop3A_273, %parallel_loop3A_274] {strides = array<i32>} : memref<32x1024xf32, #tpu.memory_space<vmem>>, vector<1x16xf32>,
        %parallel_loop3A_276 = vector.shape_cast %parallel_loop3A_275 : vector<1x16xf32> to vector<16xf32>
        %parallel_loop3A_277 = vector.shape_cast %parallel_loop3A_272 : vector<16xf32> to vector<1x16xf32>
        tpu.vector_store %arg6[%parallel_loop3A_273, %parallel_loop3A_274], %parallel_loop3A_277 {strides = array<i32>} : memref<32x1024xf32, #tpu.memory_space<vmem>>, vector<1x16xf32>,
        %parallel_loop3A_278 = arith.index_cast %parallel_loop3A_63 : i32 to index
        %parallel_loop3A_279 = arith.constant 240 : index
        %parallel_loop3A_280 = tpu.vector_load %arg6[%parallel_loop3A_278, %parallel_loop3A_279] {strides = array<i32>} : memref<32x1024xf32, #tpu.memory_space<vmem>>, vector<1x16xf32>,
        %parallel_loop3A_281 = vector.shape_cast %parallel_loop3A_280 : vector<1x16xf32> to vector<16xf32>
        %parallel_loop3A_282 = arith.index_cast %parallel_loop3A_67 : i32 to index
        %parallel_loop3A_283 = arith.constant 240 : index
        %parallel_loop3A_284 = tpu.vector_load %arg5[%parallel_loop3A_282, %parallel_loop3A_283] {strides = array<i32>} : memref<80x1024xf32, #tpu.memory_space<vmem>>, vector<1x16xf32>,
        %parallel_loop3A_285 = vector.shape_cast %parallel_loop3A_284 : vector<1x16xf32> to vector<16xf32>
        %parallel_loop3A_286 = arith.addf %parallel_loop3A_281, %parallel_loop3A_285 : vector<16xf32>
        %parallel_loop3A_287 = arith.index_cast %parallel_loop3A_63 : i32 to index
        %parallel_loop3A_288 = arith.constant 240 : index
        %parallel_loop3A_289 = tpu.vector_load %arg6[%parallel_loop3A_287, %parallel_loop3A_288] {strides = array<i32>} : memref<32x1024xf32, #tpu.memory_space<vmem>>, vector<1x16xf32>,
        %parallel_loop3A_290 = vector.shape_cast %parallel_loop3A_289 : vector<1x16xf32> to vector<16xf32>
        %parallel_loop3A_291 = vector.shape_cast %parallel_loop3A_286 : vector<16xf32> to vector<1x16xf32>
        tpu.vector_store %arg6[%parallel_loop3A_287, %parallel_loop3A_288], %parallel_loop3A_291 {strides = array<i32>} : memref<32x1024xf32, #tpu.memory_space<vmem>>, vector<1x16xf32>,
        %parallel_loop3A_292 = arith.index_cast %parallel_loop3A_63 : i32 to index
        %parallel_loop3A_293 = arith.constant 256 : index
        %parallel_loop3A_294 = tpu.vector_load %arg6[%parallel_loop3A_292, %parallel_loop3A_293] {strides = array<i32>} : memref<32x1024xf32, #tpu.memory_space<vmem>>, vector<1x16xf32>,
        %parallel_loop3A_295 = vector.shape_cast %parallel_loop3A_294 : vector<1x16xf32> to vector<16xf32>
        %parallel_loop3A_296 = arith.index_cast %parallel_loop3A_67 : i32 to index
        %parallel_loop3A_297 = arith.constant 256 : index
        %parallel_loop3A_298 = tpu.vector_load %arg5[%parallel_loop3A_296, %parallel_loop3A_297] {strides = array<i32>} : memref<80x1024xf32, #tpu.memory_space<vmem>>, vector<1x16xf32>,
        %parallel_loop3A_299 = vector.shape_cast %parallel_loop3A_298 : vector<1x16xf32> to vector<16xf32>
        %parallel_loop3A_300 = arith.addf %parallel_loop3A_295, %parallel_loop3A_299 : vector<16xf32>
        %parallel_loop3A_301 = arith.index_cast %parallel_loop3A_63 : i32 to index
        %parallel_loop3A_302 = arith.constant 256 : index
        %parallel_loop3A_303 = tpu.vector_load %arg6[%parallel_loop3A_301, %parallel_loop3A_302] {strides = array<i32>} : memref<32x1024xf32, #tpu.memory_space<vmem>>, vector<1x16xf32>,
        %parallel_loop3A_304 = vector.shape_cast %parallel_loop3A_303 : vector<1x16xf32> to vector<16xf32>
        %parallel_loop3A_305 = vector.shape_cast %parallel_loop3A_300 : vector<16xf32> to vector<1x16xf32>
        tpu.vector_store %arg6[%parallel_loop3A_301, %parallel_loop3A_302], %parallel_loop3A_305 {strides = array<i32>} : memref<32x1024xf32, #tpu.memory_space<vmem>>, vector<1x16xf32>,
        %parallel_loop3A_306 = arith.index_cast %parallel_loop3A_63 : i32 to index
        %parallel_loop3A_307 = arith.constant 272 : index
        %parallel_loop3A_308 = tpu.vector_load %arg6[%parallel_loop3A_306, %parallel_loop3A_307] {strides = array<i32>} : memref<32x1024xf32, #tpu.memory_space<vmem>>, vector<1x16xf32>,
        %parallel_loop3A_309 = vector.shape_cast %parallel_loop3A_308 : vector<1x16xf32> to vector<16xf32>
        %parallel_loop3A_310 = arith.index_cast %parallel_loop3A_67 : i32 to index
        %parallel_loop3A_311 = arith.constant 272 : index
        %parallel_loop3A_312 = tpu.vector_load %arg5[%parallel_loop3A_310, %parallel_loop3A_311] {strides = array<i32>} : memref<80x1024xf32, #tpu.memory_space<vmem>>, vector<1x16xf32>,
        %parallel_loop3A_313 = vector.shape_cast %parallel_loop3A_312 : vector<1x16xf32> to vector<16xf32>
        %parallel_loop3A_314 = arith.addf %parallel_loop3A_309, %parallel_loop3A_313 : vector<16xf32>
        %parallel_loop3A_315 = arith.index_cast %parallel_loop3A_63 : i32 to index
        %parallel_loop3A_316 = arith.constant 272 : index
        %parallel_loop3A_317 = tpu.vector_load %arg6[%parallel_loop3A_315, %parallel_loop3A_316] {strides = array<i32>} : memref<32x1024xf32, #tpu.memory_space<vmem>>, vector<1x16xf32>,
        %parallel_loop3A_318 = vector.shape_cast %parallel_loop3A_317 : vector<1x16xf32> to vector<16xf32>
        %parallel_loop3A_319 = vector.shape_cast %parallel_loop3A_314 : vector<16xf32> to vector<1x16xf32>
        tpu.vector_store %arg6[%parallel_loop3A_315, %parallel_loop3A_316], %parallel_loop3A_319 {strides = array<i32>} : memref<32x1024xf32, #tpu.memory_space<vmem>>, vector<1x16xf32>,
        %parallel_loop3A_320 = arith.index_cast %parallel_loop3A_63 : i32 to index
        %parallel_loop3A_321 = arith.constant 288 : index
        %parallel_loop3A_322 = tpu.vector_load %arg6[%parallel_loop3A_320, %parallel_loop3A_321] {strides = array<i32>} : memref<32x1024xf32, #tpu.memory_space<vmem>>, vector<1x16xf32>,
        %parallel_loop3A_323 = vector.shape_cast %parallel_loop3A_322 : vector<1x16xf32> to vector<16xf32>
        %parallel_loop3A_324 = arith.index_cast %parallel_loop3A_67 : i32 to index
        %parallel_loop3A_325 = arith.constant 288 : index
        %parallel_loop3A_326 = tpu.vector_load %arg5[%parallel_loop3A_324, %parallel_loop3A_325] {strides = array<i32>} : memref<80x1024xf32, #tpu.memory_space<vmem>>, vector<1x16xf32>,
        %parallel_loop3A_327 = vector.shape_cast %parallel_loop3A_326 : vector<1x16xf32> to vector<16xf32>
        %parallel_loop3A_328 = arith.addf %parallel_loop3A_323, %parallel_loop3A_327 : vector<16xf32>
        %parallel_loop3A_329 = arith.index_cast %parallel_loop3A_63 : i32 to index
        %parallel_loop3A_330 = arith.constant 288 : index
        %parallel_loop3A_331 = tpu.vector_load %arg6[%parallel_loop3A_329, %parallel_loop3A_330] {strides = array<i32>} : memref<32x1024xf32, #tpu.memory_space<vmem>>, vector<1x16xf32>,
        %parallel_loop3A_332 = vector.shape_cast %parallel_loop3A_331 : vector<1x16xf32> to vector<16xf32>
        %parallel_loop3A_333 = vector.shape_cast %parallel_loop3A_328 : vector<16xf32> to vector<1x16xf32>
        tpu.vector_store %arg6[%parallel_loop3A_329, %parallel_loop3A_330], %parallel_loop3A_333 {strides = array<i32>} : memref<32x1024xf32, #tpu.memory_space<vmem>>, vector<1x16xf32>,
        %parallel_loop3A_334 = arith.index_cast %parallel_loop3A_63 : i32 to index
        %parallel_loop3A_335 = arith.constant 304 : index
        %parallel_loop3A_336 = tpu.vector_load %arg6[%parallel_loop3A_334, %parallel_loop3A_335] {strides = array<i32>} : memref<32x1024xf32, #tpu.memory_space<vmem>>, vector<1x16xf32>,
        %parallel_loop3A_337 = vector.shape_cast %parallel_loop3A_336 : vector<1x16xf32> to vector<16xf32>
        %parallel_loop3A_338 = arith.index_cast %parallel_loop3A_67 : i32 to index
        %parallel_loop3A_339 = arith.constant 304 : index
        %parallel_loop3A_340 = tpu.vector_load %arg5[%parallel_loop3A_338, %parallel_loop3A_339] {strides = array<i32>} : memref<80x1024xf32, #tpu.memory_space<vmem>>, vector<1x16xf32>,
        %parallel_loop3A_341 = vector.shape_cast %parallel_loop3A_340 : vector<1x16xf32> to vector<16xf32>
        %parallel_loop3A_342 = arith.addf %parallel_loop3A_337, %parallel_loop3A_341 : vector<16xf32>
        %parallel_loop3A_343 = arith.index_cast %parallel_loop3A_63 : i32 to index
        %parallel_loop3A_344 = arith.constant 304 : index
        %parallel_loop3A_345 = tpu.vector_load %arg6[%parallel_loop3A_343, %parallel_loop3A_344] {strides = array<i32>} : memref<32x1024xf32, #tpu.memory_space<vmem>>, vector<1x16xf32>,
        %parallel_loop3A_346 = vector.shape_cast %parallel_loop3A_345 : vector<1x16xf32> to vector<16xf32>
        %parallel_loop3A_347 = vector.shape_cast %parallel_loop3A_342 : vector<16xf32> to vector<1x16xf32>
        tpu.vector_store %arg6[%parallel_loop3A_343, %parallel_loop3A_344], %parallel_loop3A_347 {strides = array<i32>} : memref<32x1024xf32, #tpu.memory_space<vmem>>, vector<1x16xf32>,
        %parallel_loop3A_348 = arith.index_cast %parallel_loop3A_63 : i32 to index
        %parallel_loop3A_349 = arith.constant 320 : index
        %parallel_loop3A_350 = tpu.vector_load %arg6[%parallel_loop3A_348, %parallel_loop3A_349] {strides = array<i32>} : memref<32x1024xf32, #tpu.memory_space<vmem>>, vector<1x16xf32>,
        %parallel_loop3A_351 = vector.shape_cast %parallel_loop3A_350 : vector<1x16xf32> to vector<16xf32>
        %parallel_loop3A_352 = arith.index_cast %parallel_loop3A_67 : i32 to index
        %parallel_loop3A_353 = arith.constant 320 : index
        %parallel_loop3A_354 = tpu.vector_load %arg5[%parallel_loop3A_352, %parallel_loop3A_353] {strides = array<i32>} : memref<80x1024xf32, #tpu.memory_space<vmem>>, vector<1x16xf32>,
        %parallel_loop3A_355 = vector.shape_cast %parallel_loop3A_354 : vector<1x16xf32> to vector<16xf32>
        %parallel_loop3A_356 = arith.addf %parallel_loop3A_351, %parallel_loop3A_355 : vector<16xf32>
        %parallel_loop3A_357 = arith.index_cast %parallel_loop3A_63 : i32 to index
        %parallel_loop3A_358 = arith.constant 320 : index
        %parallel_loop3A_359 = tpu.vector_load %arg6[%parallel_loop3A_357, %parallel_loop3A_358] {strides = array<i32>} : memref<32x1024xf32, #tpu.memory_space<vmem>>, vector<1x16xf32>,
        %parallel_loop3A_360 = vector.shape_cast %parallel_loop3A_359 : vector<1x16xf32> to vector<16xf32>
        %parallel_loop3A_361 = vector.shape_cast %parallel_loop3A_356 : vector<16xf32> to vector<1x16xf32>
        tpu.vector_store %arg6[%parallel_loop3A_357, %parallel_loop3A_358], %parallel_loop3A_361 {strides = array<i32>} : memref<32x1024xf32, #tpu.memory_space<vmem>>, vector<1x16xf32>,
        %parallel_loop3A_362 = arith.index_cast %parallel_loop3A_63 : i32 to index
        %parallel_loop3A_363 = arith.constant 336 : index
        %parallel_loop3A_364 = tpu.vector_load %arg6[%parallel_loop3A_362, %parallel_loop3A_363] {strides = array<i32>} : memref<32x1024xf32, #tpu.memory_space<vmem>>, vector<1x16xf32>,
        %parallel_loop3A_365 = vector.shape_cast %parallel_loop3A_364 : vector<1x16xf32> to vector<16xf32>
        %parallel_loop3A_366 = arith.index_cast %parallel_loop3A_67 : i32 to index
        %parallel_loop3A_367 = arith.constant 336 : index
        %parallel_loop3A_368 = tpu.vector_load %arg5[%parallel_loop3A_366, %parallel_loop3A_367] {strides = array<i32>} : memref<80x1024xf32, #tpu.memory_space<vmem>>, vector<1x16xf32>,
        %parallel_loop3A_369 = vector.shape_cast %parallel_loop3A_368 : vector<1x16xf32> to vector<16xf32>
        %parallel_loop3A_370 = arith.addf %parallel_loop3A_365, %parallel_loop3A_369 : vector<16xf32>
        %parallel_loop3A_371 = arith.index_cast %parallel_loop3A_63 : i32 to index
        %parallel_loop3A_372 = arith.constant 336 : index
        %parallel_loop3A_373 = tpu.vector_load %arg6[%parallel_loop3A_371, %parallel_loop3A_372] {strides = array<i32>} : memref<32x1024xf32, #tpu.memory_space<vmem>>, vector<1x16xf32>,
        %parallel_loop3A_374 = vector.shape_cast %parallel_loop3A_373 : vector<1x16xf32> to vector<16xf32>
        %parallel_loop3A_375 = vector.shape_cast %parallel_loop3A_370 : vector<16xf32> to vector<1x16xf32>
        tpu.vector_store %arg6[%parallel_loop3A_371, %parallel_loop3A_372], %parallel_loop3A_375 {strides = array<i32>} : memref<32x1024xf32, #tpu.memory_space<vmem>>, vector<1x16xf32>,
        %parallel_loop3A_376 = arith.index_cast %parallel_loop3A_63 : i32 to index
        %parallel_loop3A_377 = arith.constant 352 : index
        %parallel_loop3A_378 = tpu.vector_load %arg6[%parallel_loop3A_376, %parallel_loop3A_377] {strides = array<i32>} : memref<32x1024xf32, #tpu.memory_space<vmem>>, vector<1x16xf32>,
        %parallel_loop3A_379 = vector.shape_cast %parallel_loop3A_378 : vector<1x16xf32> to vector<16xf32>
        %parallel_loop3A_380 = arith.index_cast %parallel_loop3A_67 : i32 to index
        %parallel_loop3A_381 = arith.constant 352 : index
        %parallel_loop3A_382 = tpu.vector_load %arg5[%parallel_loop3A_380, %parallel_loop3A_381] {strides = array<i32>} : memref<80x1024xf32, #tpu.memory_space<vmem>>, vector<1x16xf32>,
        %parallel_loop3A_383 = vector.shape_cast %parallel_loop3A_382 : vector<1x16xf32> to vector<16xf32>
        %parallel_loop3A_384 = arith.addf %parallel_loop3A_379, %parallel_loop3A_383 : vector<16xf32>
        %parallel_loop3A_385 = arith.index_cast %parallel_loop3A_63 : i32 to index
        %parallel_loop3A_386 = arith.constant 352 : index
        %parallel_loop3A_387 = tpu.vector_load %arg6[%parallel_loop3A_385, %parallel_loop3A_386] {strides = array<i32>} : memref<32x1024xf32, #tpu.memory_space<vmem>>, vector<1x16xf32>,
        %parallel_loop3A_388 = vector.shape_cast %parallel_loop3A_387 : vector<1x16xf32> to vector<16xf32>
        %parallel_loop3A_389 = vector.shape_cast %parallel_loop3A_384 : vector<16xf32> to vector<1x16xf32>
        tpu.vector_store %arg6[%parallel_loop3A_385, %parallel_loop3A_386], %parallel_loop3A_389 {strides = array<i32>} : memref<32x1024xf32, #tpu.memory_space<vmem>>, vector<1x16xf32>,
        %parallel_loop3A_390 = arith.index_cast %parallel_loop3A_63 : i32 to index
        %parallel_loop3A_391 = arith.constant 368 : index
        %parallel_loop3A_392 = tpu.vector_load %arg6[%parallel_loop3A_390, %parallel_loop3A_391] {strides = array<i32>} : memref<32x1024xf32, #tpu.memory_space<vmem>>, vector<1x16xf32>,
        %parallel_loop3A_393 = vector.shape_cast %parallel_loop3A_392 : vector<1x16xf32> to vector<16xf32>
        %parallel_loop3A_394 = arith.index_cast %parallel_loop3A_67 : i32 to index
        %parallel_loop3A_395 = arith.constant 368 : index
        %parallel_loop3A_396 = tpu.vector_load %arg5[%parallel_loop3A_394, %parallel_loop3A_395] {strides = array<i32>} : memref<80x1024xf32, #tpu.memory_space<vmem>>, vector<1x16xf32>,
        %parallel_loop3A_397 = vector.shape_cast %parallel_loop3A_396 : vector<1x16xf32> to vector<16xf32>
        %parallel_loop3A_398 = arith.addf %parallel_loop3A_393, %parallel_loop3A_397 : vector<16xf32>
        %parallel_loop3A_399 = arith.index_cast %parallel_loop3A_63 : i32 to index
        %parallel_loop3A_400 = arith.constant 368 : index
        %parallel_loop3A_401 = tpu.vector_load %arg6[%parallel_loop3A_399, %parallel_loop3A_400] {strides = array<i32>} : memref<32x1024xf32, #tpu.memory_space<vmem>>, vector<1x16xf32>,
        %parallel_loop3A_402 = vector.shape_cast %parallel_loop3A_401 : vector<1x16xf32> to vector<16xf32>
        %parallel_loop3A_403 = vector.shape_cast %parallel_loop3A_398 : vector<16xf32> to vector<1x16xf32>
        tpu.vector_store %arg6[%parallel_loop3A_399, %parallel_loop3A_400], %parallel_loop3A_403 {strides = array<i32>} : memref<32x1024xf32, #tpu.memory_space<vmem>>, vector<1x16xf32>,
        %parallel_loop3A_404 = arith.index_cast %parallel_loop3A_63 : i32 to index
        %parallel_loop3A_405 = arith.constant 384 : index
        %parallel_loop3A_406 = tpu.vector_load %arg6[%parallel_loop3A_404, %parallel_loop3A_405] {strides = array<i32>} : memref<32x1024xf32, #tpu.memory_space<vmem>>, vector<1x16xf32>,
        %parallel_loop3A_407 = vector.shape_cast %parallel_loop3A_406 : vector<1x16xf32> to vector<16xf32>
        %parallel_loop3A_408 = arith.index_cast %parallel_loop3A_67 : i32 to index
        %parallel_loop3A_409 = arith.constant 384 : index
        %parallel_loop3A_410 = tpu.vector_load %arg5[%parallel_loop3A_408, %parallel_loop3A_409] {strides = array<i32>} : memref<80x1024xf32, #tpu.memory_space<vmem>>, vector<1x16xf32>,
        %parallel_loop3A_411 = vector.shape_cast %parallel_loop3A_410 : vector<1x16xf32> to vector<16xf32>
        %parallel_loop3A_412 = arith.addf %parallel_loop3A_407, %parallel_loop3A_411 : vector<16xf32>
        %parallel_loop3A_413 = arith.index_cast %parallel_loop3A_63 : i32 to index
        %parallel_loop3A_414 = arith.constant 384 : index
        %parallel_loop3A_415 = tpu.vector_load %arg6[%parallel_loop3A_413, %parallel_loop3A_414] {strides = array<i32>} : memref<32x1024xf32, #tpu.memory_space<vmem>>, vector<1x16xf32>,
        %parallel_loop3A_416 = vector.shape_cast %parallel_loop3A_415 : vector<1x16xf32> to vector<16xf32>
        %parallel_loop3A_417 = vector.shape_cast %parallel_loop3A_412 : vector<16xf32> to vector<1x16xf32>
        tpu.vector_store %arg6[%parallel_loop3A_413, %parallel_loop3A_414], %parallel_loop3A_417 {strides = array<i32>} : memref<32x1024xf32, #tpu.memory_space<vmem>>, vector<1x16xf32>,
        %parallel_loop3A_418 = arith.index_cast %parallel_loop3A_63 : i32 to index
        %parallel_loop3A_419 = arith.constant 400 : index
        %parallel_loop3A_420 = tpu.vector_load %arg6[%parallel_loop3A_418, %parallel_loop3A_419] {strides = array<i32>} : memref<32x1024xf32, #tpu.memory_space<vmem>>, vector<1x16xf32>,
        %parallel_loop3A_421 = vector.shape_cast %parallel_loop3A_420 : vector<1x16xf32> to vector<16xf32>
        %parallel_loop3A_422 = arith.index_cast %parallel_loop3A_67 : i32 to index
        %parallel_loop3A_423 = arith.constant 400 : index
        %parallel_loop3A_424 = tpu.vector_load %arg5[%parallel_loop3A_422, %parallel_loop3A_423] {strides = array<i32>} : memref<80x1024xf32, #tpu.memory_space<vmem>>, vector<1x16xf32>,
        %parallel_loop3A_425 = vector.shape_cast %parallel_loop3A_424 : vector<1x16xf32> to vector<16xf32>
        %parallel_loop3A_426 = arith.addf %parallel_loop3A_421, %parallel_loop3A_425 : vector<16xf32>
        %parallel_loop3A_427 = arith.index_cast %parallel_loop3A_63 : i32 to index
        %parallel_loop3A_428 = arith.constant 400 : index
        %parallel_loop3A_429 = tpu.vector_load %arg6[%parallel_loop3A_427, %parallel_loop3A_428] {strides = array<i32>} : memref<32x1024xf32, #tpu.memory_space<vmem>>, vector<1x16xf32>,
        %parallel_loop3A_430 = vector.shape_cast %parallel_loop3A_429 : vector<1x16xf32> to vector<16xf32>
        %parallel_loop3A_431 = vector.shape_cast %parallel_loop3A_426 : vector<16xf32> to vector<1x16xf32>
        tpu.vector_store %arg6[%parallel_loop3A_427, %parallel_loop3A_428], %parallel_loop3A_431 {strides = array<i32>} : memref<32x1024xf32, #tpu.memory_space<vmem>>, vector<1x16xf32>,
        %parallel_loop3A_432 = arith.index_cast %parallel_loop3A_63 : i32 to index
        %parallel_loop3A_433 = arith.constant 416 : index
        %parallel_loop3A_434 = tpu.vector_load %arg6[%parallel_loop3A_432, %parallel_loop3A_433] {strides = array<i32>} : memref<32x1024xf32, #tpu.memory_space<vmem>>, vector<1x16xf32>,
        %parallel_loop3A_435 = vector.shape_cast %parallel_loop3A_434 : vector<1x16xf32> to vector<16xf32>
        %parallel_loop3A_436 = arith.index_cast %parallel_loop3A_67 : i32 to index
        %parallel_loop3A_437 = arith.constant 416 : index
        %parallel_loop3A_438 = tpu.vector_load %arg5[%parallel_loop3A_436, %parallel_loop3A_437] {strides = array<i32>} : memref<80x1024xf32, #tpu.memory_space<vmem>>, vector<1x16xf32>,
        %parallel_loop3A_439 = vector.shape_cast %parallel_loop3A_438 : vector<1x16xf32> to vector<16xf32>
        %parallel_loop3A_440 = arith.addf %parallel_loop3A_435, %parallel_loop3A_439 : vector<16xf32>
        %parallel_loop3A_441 = arith.index_cast %parallel_loop3A_63 : i32 to index
        %parallel_loop3A_442 = arith.constant 416 : index
        %parallel_loop3A_443 = tpu.vector_load %arg6[%parallel_loop3A_441, %parallel_loop3A_442] {strides = array<i32>} : memref<32x1024xf32, #tpu.memory_space<vmem>>, vector<1x16xf32>,
        %parallel_loop3A_444 = vector.shape_cast %parallel_loop3A_443 : vector<1x16xf32> to vector<16xf32>
        %parallel_loop3A_445 = vector.shape_cast %parallel_loop3A_440 : vector<16xf32> to vector<1x16xf32>
        tpu.vector_store %arg6[%parallel_loop3A_441, %parallel_loop3A_442], %parallel_loop3A_445 {strides = array<i32>} : memref<32x1024xf32, #tpu.memory_space<vmem>>, vector<1x16xf32>,
        %parallel_loop3A_446 = arith.index_cast %parallel_loop3A_63 : i32 to index
        %parallel_loop3A_447 = arith.constant 432 : index
        %parallel_loop3A_448 = tpu.vector_load %arg6[%parallel_loop3A_446, %parallel_loop3A_447] {strides = array<i32>} : memref<32x1024xf32, #tpu.memory_space<vmem>>, vector<1x16xf32>,
        %parallel_loop3A_449 = vector.shape_cast %parallel_loop3A_448 : vector<1x16xf32> to vector<16xf32>
        %parallel_loop3A_450 = arith.index_cast %parallel_loop3A_67 : i32 to index
        %parallel_loop3A_451 = arith.constant 432 : index
        %parallel_loop3A_452 = tpu.vector_load %arg5[%parallel_loop3A_450, %parallel_loop3A_451] {strides = array<i32>} : memref<80x1024xf32, #tpu.memory_space<vmem>>, vector<1x16xf32>,
        %parallel_loop3A_453 = vector.shape_cast %parallel_loop3A_452 : vector<1x16xf32> to vector<16xf32>
        %parallel_loop3A_454 = arith.addf %parallel_loop3A_449, %parallel_loop3A_453 : vector<16xf32>
        %parallel_loop3A_455 = arith.index_cast %parallel_loop3A_63 : i32 to index
        %parallel_loop3A_456 = arith.constant 432 : index
        %parallel_loop3A_457 = tpu.vector_load %arg6[%parallel_loop3A_455, %parallel_loop3A_456] {strides = array<i32>} : memref<32x1024xf32, #tpu.memory_space<vmem>>, vector<1x16xf32>,
        %parallel_loop3A_458 = vector.shape_cast %parallel_loop3A_457 : vector<1x16xf32> to vector<16xf32>
        %parallel_loop3A_459 = vector.shape_cast %parallel_loop3A_454 : vector<16xf32> to vector<1x16xf32>
        tpu.vector_store %arg6[%parallel_loop3A_455, %parallel_loop3A_456], %parallel_loop3A_459 {strides = array<i32>} : memref<32x1024xf32, #tpu.memory_space<vmem>>, vector<1x16xf32>,
        %parallel_loop3A_460 = arith.index_cast %parallel_loop3A_63 : i32 to index
        %parallel_loop3A_461 = arith.constant 448 : index
        %parallel_loop3A_462 = tpu.vector_load %arg6[%parallel_loop3A_460, %parallel_loop3A_461] {strides = array<i32>} : memref<32x1024xf32, #tpu.memory_space<vmem>>, vector<1x16xf32>,
        %parallel_loop3A_463 = vector.shape_cast %parallel_loop3A_462 : vector<1x16xf32> to vector<16xf32>
        %parallel_loop3A_464 = arith.index_cast %parallel_loop3A_67 : i32 to index
        %parallel_loop3A_465 = arith.constant 448 : index
        %parallel_loop3A_466 = tpu.vector_load %arg5[%parallel_loop3A_464, %parallel_loop3A_465] {strides = array<i32>} : memref<80x1024xf32, #tpu.memory_space<vmem>>, vector<1x16xf32>,
        %parallel_loop3A_467 = vector.shape_cast %parallel_loop3A_466 : vector<1x16xf32> to vector<16xf32>
        %parallel_loop3A_468 = arith.addf %parallel_loop3A_463, %parallel_loop3A_467 : vector<16xf32>
        %parallel_loop3A_469 = arith.index_cast %parallel_loop3A_63 : i32 to index
        %parallel_loop3A_470 = arith.constant 448 : index
        %parallel_loop3A_471 = tpu.vector_load %arg6[%parallel_loop3A_469, %parallel_loop3A_470] {strides = array<i32>} : memref<32x1024xf32, #tpu.memory_space<vmem>>, vector<1x16xf32>,
        %parallel_loop3A_472 = vector.shape_cast %parallel_loop3A_471 : vector<1x16xf32> to vector<16xf32>
        %parallel_loop3A_473 = vector.shape_cast %parallel_loop3A_468 : vector<16xf32> to vector<1x16xf32>
        tpu.vector_store %arg6[%parallel_loop3A_469, %parallel_loop3A_470], %parallel_loop3A_473 {strides = array<i32>} : memref<32x1024xf32, #tpu.memory_space<vmem>>, vector<1x16xf32>,
        %parallel_loop3A_474 = arith.index_cast %parallel_loop3A_63 : i32 to index
        %parallel_loop3A_475 = arith.constant 464 : index
        %parallel_loop3A_476 = tpu.vector_load %arg6[%parallel_loop3A_474, %parallel_loop3A_475] {strides = array<i32>} : memref<32x1024xf32, #tpu.memory_space<vmem>>, vector<1x16xf32>,
        %parallel_loop3A_477 = vector.shape_cast %parallel_loop3A_476 : vector<1x16xf32> to vector<16xf32>
        %parallel_loop3A_478 = arith.index_cast %parallel_loop3A_67 : i32 to index
        %parallel_loop3A_479 = arith.constant 464 : index
        %parallel_loop3A_480 = tpu.vector_load %arg5[%parallel_loop3A_478, %parallel_loop3A_479] {strides = array<i32>} : memref<80x1024xf32, #tpu.memory_space<vmem>>, vector<1x16xf32>,
        %parallel_loop3A_481 = vector.shape_cast %parallel_loop3A_480 : vector<1x16xf32> to vector<16xf32>
        %parallel_loop3A_482 = arith.addf %parallel_loop3A_477, %parallel_loop3A_481 : vector<16xf32>
        %parallel_loop3A_483 = arith.index_cast %parallel_loop3A_63 : i32 to index
        %parallel_loop3A_484 = arith.constant 464 : index
        %parallel_loop3A_485 = tpu.vector_load %arg6[%parallel_loop3A_483, %parallel_loop3A_484] {strides = array<i32>} : memref<32x1024xf32, #tpu.memory_space<vmem>>, vector<1x16xf32>,
        %parallel_loop3A_486 = vector.shape_cast %parallel_loop3A_485 : vector<1x16xf32> to vector<16xf32>
        %parallel_loop3A_487 = vector.shape_cast %parallel_loop3A_482 : vector<16xf32> to vector<1x16xf32>
        tpu.vector_store %arg6[%parallel_loop3A_483, %parallel_loop3A_484], %parallel_loop3A_487 {strides = array<i32>} : memref<32x1024xf32, #tpu.memory_space<vmem>>, vector<1x16xf32>,
        %parallel_loop3A_488 = arith.index_cast %parallel_loop3A_63 : i32 to index
        %parallel_loop3A_489 = arith.constant 480 : index
        %parallel_loop3A_490 = tpu.vector_load %arg6[%parallel_loop3A_488, %parallel_loop3A_489] {strides = array<i32>} : memref<32x1024xf32, #tpu.memory_space<vmem>>, vector<1x16xf32>,
        %parallel_loop3A_491 = vector.shape_cast %parallel_loop3A_490 : vector<1x16xf32> to vector<16xf32>
        %parallel_loop3A_492 = arith.index_cast %parallel_loop3A_67 : i32 to index
        %parallel_loop3A_493 = arith.constant 480 : index
        %parallel_loop3A_494 = tpu.vector_load %arg5[%parallel_loop3A_492, %parallel_loop3A_493] {strides = array<i32>} : memref<80x1024xf32, #tpu.memory_space<vmem>>, vector<1x16xf32>,
        %parallel_loop3A_495 = vector.shape_cast %parallel_loop3A_494 : vector<1x16xf32> to vector<16xf32>
        %parallel_loop3A_496 = arith.addf %parallel_loop3A_491, %parallel_loop3A_495 : vector<16xf32>
        %parallel_loop3A_497 = arith.index_cast %parallel_loop3A_63 : i32 to index
        %parallel_loop3A_498 = arith.constant 480 : index
        %parallel_loop3A_499 = tpu.vector_load %arg6[%parallel_loop3A_497, %parallel_loop3A_498] {strides = array<i32>} : memref<32x1024xf32, #tpu.memory_space<vmem>>, vector<1x16xf32>,
        %parallel_loop3A_500 = vector.shape_cast %parallel_loop3A_499 : vector<1x16xf32> to vector<16xf32>
        %parallel_loop3A_501 = vector.shape_cast %parallel_loop3A_496 : vector<16xf32> to vector<1x16xf32>
        tpu.vector_store %arg6[%parallel_loop3A_497, %parallel_loop3A_498], %parallel_loop3A_501 {strides = array<i32>} : memref<32x1024xf32, #tpu.memory_space<vmem>>, vector<1x16xf32>,
        %parallel_loop3A_502 = arith.index_cast %parallel_loop3A_63 : i32 to index
        %parallel_loop3A_503 = arith.constant 496 : index
        %parallel_loop3A_504 = tpu.vector_load %arg6[%parallel_loop3A_502, %parallel_loop3A_503] {strides = array<i32>} : memref<32x1024xf32, #tpu.memory_space<vmem>>, vector<1x16xf32>,
        %parallel_loop3A_505 = vector.shape_cast %parallel_loop3A_504 : vector<1x16xf32> to vector<16xf32>
        %parallel_loop3A_506 = arith.index_cast %parallel_loop3A_67 : i32 to index
        %parallel_loop3A_507 = arith.constant 496 : index
        %parallel_loop3A_508 = tpu.vector_load %arg5[%parallel_loop3A_506, %parallel_loop3A_507] {strides = array<i32>} : memref<80x1024xf32, #tpu.memory_space<vmem>>, vector<1x16xf32>,
        %parallel_loop3A_509 = vector.shape_cast %parallel_loop3A_508 : vector<1x16xf32> to vector<16xf32>
        %parallel_loop3A_510 = arith.addf %parallel_loop3A_505, %parallel_loop3A_509 : vector<16xf32>
        %parallel_loop3A_511 = arith.index_cast %parallel_loop3A_63 : i32 to index
        %parallel_loop3A_512 = arith.constant 496 : index
        %parallel_loop3A_513 = tpu.vector_load %arg6[%parallel_loop3A_511, %parallel_loop3A_512] {strides = array<i32>} : memref<32x1024xf32, #tpu.memory_space<vmem>>, vector<1x16xf32>,
        %parallel_loop3A_514 = vector.shape_cast %parallel_loop3A_513 : vector<1x16xf32> to vector<16xf32>
        %parallel_loop3A_515 = vector.shape_cast %parallel_loop3A_510 : vector<16xf32> to vector<1x16xf32>
        tpu.vector_store %arg6[%parallel_loop3A_511, %parallel_loop3A_512], %parallel_loop3A_515 {strides = array<i32>} : memref<32x1024xf32, #tpu.memory_space<vmem>>, vector<1x16xf32>,
        %parallel_loop3A_516 = arith.index_cast %parallel_loop3A_63 : i32 to index
        %parallel_loop3A_517 = arith.constant 512 : index
        %parallel_loop3A_518 = tpu.vector_load %arg6[%parallel_loop3A_516, %parallel_loop3A_517] {strides = array<i32>} : memref<32x1024xf32, #tpu.memory_space<vmem>>, vector<1x16xf32>,
        %parallel_loop3A_519 = vector.shape_cast %parallel_loop3A_518 : vector<1x16xf32> to vector<16xf32>
        %parallel_loop3A_520 = arith.index_cast %parallel_loop3A_67 : i32 to index
        %parallel_loop3A_521 = arith.constant 512 : index
        %parallel_loop3A_522 = tpu.vector_load %arg5[%parallel_loop3A_520, %parallel_loop3A_521] {strides = array<i32>} : memref<80x1024xf32, #tpu.memory_space<vmem>>, vector<1x16xf32>,
        %parallel_loop3A_523 = vector.shape_cast %parallel_loop3A_522 : vector<1x16xf32> to vector<16xf32>
        %parallel_loop3A_524 = arith.addf %parallel_loop3A_519, %parallel_loop3A_523 : vector<16xf32>
        %parallel_loop3A_525 = arith.index_cast %parallel_loop3A_63 : i32 to index
        %parallel_loop3A_526 = arith.constant 512 : index
        %parallel_loop3A_527 = tpu.vector_load %arg6[%parallel_loop3A_525, %parallel_loop3A_526] {strides = array<i32>} : memref<32x1024xf32, #tpu.memory_space<vmem>>, vector<1x16xf32>,
        %parallel_loop3A_528 = vector.shape_cast %parallel_loop3A_527 : vector<1x16xf32> to vector<16xf32>
        %parallel_loop3A_529 = vector.shape_cast %parallel_loop3A_524 : vector<16xf32> to vector<1x16xf32>
        tpu.vector_store %arg6[%parallel_loop3A_525, %parallel_loop3A_526], %parallel_loop3A_529 {strides = array<i32>} : memref<32x1024xf32, #tpu.memory_space<vmem>>, vector<1x16xf32>,
        %parallel_loop3A_530 = arith.index_cast %parallel_loop3A_63 : i32 to index
        %parallel_loop3A_531 = arith.constant 528 : index
        %parallel_loop3A_532 = tpu.vector_load %arg6[%parallel_loop3A_530, %parallel_loop3A_531] {strides = array<i32>} : memref<32x1024xf32, #tpu.memory_space<vmem>>, vector<1x16xf32>,
        %parallel_loop3A_533 = vector.shape_cast %parallel_loop3A_532 : vector<1x16xf32> to vector<16xf32>
        %parallel_loop3A_534 = arith.index_cast %parallel_loop3A_67 : i32 to index
        %parallel_loop3A_535 = arith.constant 528 : index
        %parallel_loop3A_536 = tpu.vector_load %arg5[%parallel_loop3A_534, %parallel_loop3A_535] {strides = array<i32>} : memref<80x1024xf32, #tpu.memory_space<vmem>>, vector<1x16xf32>,
        %parallel_loop3A_537 = vector.shape_cast %parallel_loop3A_536 : vector<1x16xf32> to vector<16xf32>
        %parallel_loop3A_538 = arith.addf %parallel_loop3A_533, %parallel_loop3A_537 : vector<16xf32>
        %parallel_loop3A_539 = arith.index_cast %parallel_loop3A_63 : i32 to index
        %parallel_loop3A_540 = arith.constant 528 : index
        %parallel_loop3A_541 = tpu.vector_load %arg6[%parallel_loop3A_539, %parallel_loop3A_540] {strides = array<i32>} : memref<32x1024xf32, #tpu.memory_space<vmem>>, vector<1x16xf32>,
        %parallel_loop3A_542 = vector.shape_cast %parallel_loop3A_541 : vector<1x16xf32> to vector<16xf32>
        %parallel_loop3A_543 = vector.shape_cast %parallel_loop3A_538 : vector<16xf32> to vector<1x16xf32>
        tpu.vector_store %arg6[%parallel_loop3A_539, %parallel_loop3A_540], %parallel_loop3A_543 {strides = array<i32>} : memref<32x1024xf32, #tpu.memory_space<vmem>>, vector<1x16xf32>,
        %parallel_loop3A_544 = arith.index_cast %parallel_loop3A_63 : i32 to index
        %parallel_loop3A_545 = arith.constant 544 : index
        %parallel_loop3A_546 = tpu.vector_load %arg6[%parallel_loop3A_544, %parallel_loop3A_545] {strides = array<i32>} : memref<32x1024xf32, #tpu.memory_space<vmem>>, vector<1x16xf32>,
        %parallel_loop3A_547 = vector.shape_cast %parallel_loop3A_546 : vector<1x16xf32> to vector<16xf32>
        %parallel_loop3A_548 = arith.index_cast %parallel_loop3A_67 : i32 to index
        %parallel_loop3A_549 = arith.constant 544 : index
        %parallel_loop3A_550 = tpu.vector_load %arg5[%parallel_loop3A_548, %parallel_loop3A_549] {strides = array<i32>} : memref<80x1024xf32, #tpu.memory_space<vmem>>, vector<1x16xf32>,
        %parallel_loop3A_551 = vector.shape_cast %parallel_loop3A_550 : vector<1x16xf32> to vector<16xf32>
        %parallel_loop3A_552 = arith.addf %parallel_loop3A_547, %parallel_loop3A_551 : vector<16xf32>
        %parallel_loop3A_553 = arith.index_cast %parallel_loop3A_63 : i32 to index
        %parallel_loop3A_554 = arith.constant 544 : index
        %parallel_loop3A_555 = tpu.vector_load %arg6[%parallel_loop3A_553, %parallel_loop3A_554] {strides = array<i32>} : memref<32x1024xf32, #tpu.memory_space<vmem>>, vector<1x16xf32>,
        %parallel_loop3A_556 = vector.shape_cast %parallel_loop3A_555 : vector<1x16xf32> to vector<16xf32>
        %parallel_loop3A_557 = vector.shape_cast %parallel_loop3A_552 : vector<16xf32> to vector<1x16xf32>
        tpu.vector_store %arg6[%parallel_loop3A_553, %parallel_loop3A_554], %parallel_loop3A_557 {strides = array<i32>} : memref<32x1024xf32, #tpu.memory_space<vmem>>, vector<1x16xf32>,
        %parallel_loop3A_558 = arith.index_cast %parallel_loop3A_63 : i32 to index
        %parallel_loop3A_559 = arith.constant 560 : index
        %parallel_loop3A_560 = tpu.vector_load %arg6[%parallel_loop3A_558, %parallel_loop3A_559] {strides = array<i32>} : memref<32x1024xf32, #tpu.memory_space<vmem>>, vector<1x16xf32>,
        %parallel_loop3A_561 = vector.shape_cast %parallel_loop3A_560 : vector<1x16xf32> to vector<16xf32>
        %parallel_loop3A_562 = arith.index_cast %parallel_loop3A_67 : i32 to index
        %parallel_loop3A_563 = arith.constant 560 : index
        %parallel_loop3A_564 = tpu.vector_load %arg5[%parallel_loop3A_562, %parallel_loop3A_563] {strides = array<i32>} : memref<80x1024xf32, #tpu.memory_space<vmem>>, vector<1x16xf32>,
        %parallel_loop3A_565 = vector.shape_cast %parallel_loop3A_564 : vector<1x16xf32> to vector<16xf32>
        %parallel_loop3A_566 = arith.addf %parallel_loop3A_561, %parallel_loop3A_565 : vector<16xf32>
        %parallel_loop3A_567 = arith.index_cast %parallel_loop3A_63 : i32 to index
        %parallel_loop3A_568 = arith.constant 560 : index
        %parallel_loop3A_569 = tpu.vector_load %arg6[%parallel_loop3A_567, %parallel_loop3A_568] {strides = array<i32>} : memref<32x1024xf32, #tpu.memory_space<vmem>>, vector<1x16xf32>,
        %parallel_loop3A_570 = vector.shape_cast %parallel_loop3A_569 : vector<1x16xf32> to vector<16xf32>
        %parallel_loop3A_571 = vector.shape_cast %parallel_loop3A_566 : vector<16xf32> to vector<1x16xf32>
        tpu.vector_store %arg6[%parallel_loop3A_567, %parallel_loop3A_568], %parallel_loop3A_571 {strides = array<i32>} : memref<32x1024xf32, #tpu.memory_space<vmem>>, vector<1x16xf32>,
        %parallel_loop3A_572 = arith.index_cast %parallel_loop3A_63 : i32 to index
        %parallel_loop3A_573 = arith.constant 576 : index
        %parallel_loop3A_574 = tpu.vector_load %arg6[%parallel_loop3A_572, %parallel_loop3A_573] {strides = array<i32>} : memref<32x1024xf32, #tpu.memory_space<vmem>>, vector<1x16xf32>,
        %parallel_loop3A_575 = vector.shape_cast %parallel_loop3A_574 : vector<1x16xf32> to vector<16xf32>
        %parallel_loop3A_576 = arith.index_cast %parallel_loop3A_67 : i32 to index
        %parallel_loop3A_577 = arith.constant 576 : index
        %parallel_loop3A_578 = tpu.vector_load %arg5[%parallel_loop3A_576, %parallel_loop3A_577] {strides = array<i32>} : memref<80x1024xf32, #tpu.memory_space<vmem>>, vector<1x16xf32>,
        %parallel_loop3A_579 = vector.shape_cast %parallel_loop3A_578 : vector<1x16xf32> to vector<16xf32>
        %parallel_loop3A_580 = arith.addf %parallel_loop3A_575, %parallel_loop3A_579 : vector<16xf32>
        %parallel_loop3A_581 = arith.index_cast %parallel_loop3A_63 : i32 to index
        %parallel_loop3A_582 = arith.constant 576 : index
        %parallel_loop3A_583 = tpu.vector_load %arg6[%parallel_loop3A_581, %parallel_loop3A_582] {strides = array<i32>} : memref<32x1024xf32, #tpu.memory_space<vmem>>, vector<1x16xf32>,
        %parallel_loop3A_584 = vector.shape_cast %parallel_loop3A_583 : vector<1x16xf32> to vector<16xf32>
        %parallel_loop3A_585 = vector.shape_cast %parallel_loop3A_580 : vector<16xf32> to vector<1x16xf32>
        tpu.vector_store %arg6[%parallel_loop3A_581, %parallel_loop3A_582], %parallel_loop3A_585 {strides = array<i32>} : memref<32x1024xf32, #tpu.memory_space<vmem>>, vector<1x16xf32>,
        %parallel_loop3A_586 = arith.index_cast %parallel_loop3A_63 : i32 to index
        %parallel_loop3A_587 = arith.constant 592 : index
        %parallel_loop3A_588 = tpu.vector_load %arg6[%parallel_loop3A_586, %parallel_loop3A_587] {strides = array<i32>} : memref<32x1024xf32, #tpu.memory_space<vmem>>, vector<1x16xf32>,
        %parallel_loop3A_589 = vector.shape_cast %parallel_loop3A_588 : vector<1x16xf32> to vector<16xf32>
        %parallel_loop3A_590 = arith.index_cast %parallel_loop3A_67 : i32 to index
        %parallel_loop3A_591 = arith.constant 592 : index
        %parallel_loop3A_592 = tpu.vector_load %arg5[%parallel_loop3A_590, %parallel_loop3A_591] {strides = array<i32>} : memref<80x1024xf32, #tpu.memory_space<vmem>>, vector<1x16xf32>,
        %parallel_loop3A_593 = vector.shape_cast %parallel_loop3A_592 : vector<1x16xf32> to vector<16xf32>
        %parallel_loop3A_594 = arith.addf %parallel_loop3A_589, %parallel_loop3A_593 : vector<16xf32>
        %parallel_loop3A_595 = arith.index_cast %parallel_loop3A_63 : i32 to index
        %parallel_loop3A_596 = arith.constant 592 : index
        %parallel_loop3A_597 = tpu.vector_load %arg6[%parallel_loop3A_595, %parallel_loop3A_596] {strides = array<i32>} : memref<32x1024xf32, #tpu.memory_space<vmem>>, vector<1x16xf32>,
        %parallel_loop3A_598 = vector.shape_cast %parallel_loop3A_597 : vector<1x16xf32> to vector<16xf32>
        %parallel_loop3A_599 = vector.shape_cast %parallel_loop3A_594 : vector<16xf32> to vector<1x16xf32>
        tpu.vector_store %arg6[%parallel_loop3A_595, %parallel_loop3A_596], %parallel_loop3A_599 {strides = array<i32>} : memref<32x1024xf32, #tpu.memory_space<vmem>>, vector<1x16xf32>,
        %parallel_loop3A_600 = arith.index_cast %parallel_loop3A_63 : i32 to index
        %parallel_loop3A_601 = arith.constant 608 : index
        %parallel_loop3A_602 = tpu.vector_load %arg6[%parallel_loop3A_600, %parallel_loop3A_601] {strides = array<i32>} : memref<32x1024xf32, #tpu.memory_space<vmem>>, vector<1x16xf32>,
        %parallel_loop3A_603 = vector.shape_cast %parallel_loop3A_602 : vector<1x16xf32> to vector<16xf32>
        %parallel_loop3A_604 = arith.index_cast %parallel_loop3A_67 : i32 to index
        %parallel_loop3A_605 = arith.constant 608 : index
        %parallel_loop3A_606 = tpu.vector_load %arg5[%parallel_loop3A_604, %parallel_loop3A_605] {strides = array<i32>} : memref<80x1024xf32, #tpu.memory_space<vmem>>, vector<1x16xf32>,
        %parallel_loop3A_607 = vector.shape_cast %parallel_loop3A_606 : vector<1x16xf32> to vector<16xf32>
        %parallel_loop3A_608 = arith.addf %parallel_loop3A_603, %parallel_loop3A_607 : vector<16xf32>
        %parallel_loop3A_609 = arith.index_cast %parallel_loop3A_63 : i32 to index
        %parallel_loop3A_610 = arith.constant 608 : index
        %parallel_loop3A_611 = tpu.vector_load %arg6[%parallel_loop3A_609, %parallel_loop3A_610] {strides = array<i32>} : memref<32x1024xf32, #tpu.memory_space<vmem>>, vector<1x16xf32>,
        %parallel_loop3A_612 = vector.shape_cast %parallel_loop3A_611 : vector<1x16xf32> to vector<16xf32>
        %parallel_loop3A_613 = vector.shape_cast %parallel_loop3A_608 : vector<16xf32> to vector<1x16xf32>
        tpu.vector_store %arg6[%parallel_loop3A_609, %parallel_loop3A_610], %parallel_loop3A_613 {strides = array<i32>} : memref<32x1024xf32, #tpu.memory_space<vmem>>, vector<1x16xf32>,
        %parallel_loop3A_614 = arith.index_cast %parallel_loop3A_63 : i32 to index
        %parallel_loop3A_615 = arith.constant 624 : index
        %parallel_loop3A_616 = tpu.vector_load %arg6[%parallel_loop3A_614, %parallel_loop3A_615] {strides = array<i32>} : memref<32x1024xf32, #tpu.memory_space<vmem>>, vector<1x16xf32>,
        %parallel_loop3A_617 = vector.shape_cast %parallel_loop3A_616 : vector<1x16xf32> to vector<16xf32>
        %parallel_loop3A_618 = arith.index_cast %parallel_loop3A_67 : i32 to index
        %parallel_loop3A_619 = arith.constant 624 : index
        %parallel_loop3A_620 = tpu.vector_load %arg5[%parallel_loop3A_618, %parallel_loop3A_619] {strides = array<i32>} : memref<80x1024xf32, #tpu.memory_space<vmem>>, vector<1x16xf32>,
        %parallel_loop3A_621 = vector.shape_cast %parallel_loop3A_620 : vector<1x16xf32> to vector<16xf32>
        %parallel_loop3A_622 = arith.addf %parallel_loop3A_617, %parallel_loop3A_621 : vector<16xf32>
        %parallel_loop3A_623 = arith.index_cast %parallel_loop3A_63 : i32 to index
        %parallel_loop3A_624 = arith.constant 624 : index
        %parallel_loop3A_625 = tpu.vector_load %arg6[%parallel_loop3A_623, %parallel_loop3A_624] {strides = array<i32>} : memref<32x1024xf32, #tpu.memory_space<vmem>>, vector<1x16xf32>,
        %parallel_loop3A_626 = vector.shape_cast %parallel_loop3A_625 : vector<1x16xf32> to vector<16xf32>
        %parallel_loop3A_627 = vector.shape_cast %parallel_loop3A_622 : vector<16xf32> to vector<1x16xf32>
        tpu.vector_store %arg6[%parallel_loop3A_623, %parallel_loop3A_624], %parallel_loop3A_627 {strides = array<i32>} : memref<32x1024xf32, #tpu.memory_space<vmem>>, vector<1x16xf32>,
        %parallel_loop3A_628 = arith.index_cast %parallel_loop3A_63 : i32 to index
        %parallel_loop3A_629 = arith.constant 640 : index
        %parallel_loop3A_630 = tpu.vector_load %arg6[%parallel_loop3A_628, %parallel_loop3A_629] {strides = array<i32>} : memref<32x1024xf32, #tpu.memory_space<vmem>>, vector<1x16xf32>,
        %parallel_loop3A_631 = vector.shape_cast %parallel_loop3A_630 : vector<1x16xf32> to vector<16xf32>
        %parallel_loop3A_632 = arith.index_cast %parallel_loop3A_67 : i32 to index
        %parallel_loop3A_633 = arith.constant 640 : index
        %parallel_loop3A_634 = tpu.vector_load %arg5[%parallel_loop3A_632, %parallel_loop3A_633] {strides = array<i32>} : memref<80x1024xf32, #tpu.memory_space<vmem>>, vector<1x16xf32>,
        %parallel_loop3A_635 = vector.shape_cast %parallel_loop3A_634 : vector<1x16xf32> to vector<16xf32>
        %parallel_loop3A_636 = arith.addf %parallel_loop3A_631, %parallel_loop3A_635 : vector<16xf32>
        %parallel_loop3A_637 = arith.index_cast %parallel_loop3A_63 : i32 to index
        %parallel_loop3A_638 = arith.constant 640 : index
        %parallel_loop3A_639 = tpu.vector_load %arg6[%parallel_loop3A_637, %parallel_loop3A_638] {strides = array<i32>} : memref<32x1024xf32, #tpu.memory_space<vmem>>, vector<1x16xf32>,
        %parallel_loop3A_640 = vector.shape_cast %parallel_loop3A_639 : vector<1x16xf32> to vector<16xf32>
        %parallel_loop3A_641 = vector.shape_cast %parallel_loop3A_636 : vector<16xf32> to vector<1x16xf32>
        tpu.vector_store %arg6[%parallel_loop3A_637, %parallel_loop3A_638], %parallel_loop3A_641 {strides = array<i32>} : memref<32x1024xf32, #tpu.memory_space<vmem>>, vector<1x16xf32>,
        %parallel_loop3A_642 = arith.index_cast %parallel_loop3A_63 : i32 to index
        %parallel_loop3A_643 = arith.constant 656 : index
        %parallel_loop3A_644 = tpu.vector_load %arg6[%parallel_loop3A_642, %parallel_loop3A_643] {strides = array<i32>} : memref<32x1024xf32, #tpu.memory_space<vmem>>, vector<1x16xf32>,
        %parallel_loop3A_645 = vector.shape_cast %parallel_loop3A_644 : vector<1x16xf32> to vector<16xf32>
        %parallel_loop3A_646 = arith.index_cast %parallel_loop3A_67 : i32 to index
        %parallel_loop3A_647 = arith.constant 656 : index
        %parallel_loop3A_648 = tpu.vector_load %arg5[%parallel_loop3A_646, %parallel_loop3A_647] {strides = array<i32>} : memref<80x1024xf32, #tpu.memory_space<vmem>>, vector<1x16xf32>,
        %parallel_loop3A_649 = vector.shape_cast %parallel_loop3A_648 : vector<1x16xf32> to vector<16xf32>
        %parallel_loop3A_650 = arith.addf %parallel_loop3A_645, %parallel_loop3A_649 : vector<16xf32>
        %parallel_loop3A_651 = arith.index_cast %parallel_loop3A_63 : i32 to index
        %parallel_loop3A_652 = arith.constant 656 : index
        %parallel_loop3A_653 = tpu.vector_load %arg6[%parallel_loop3A_651, %parallel_loop3A_652] {strides = array<i32>} : memref<32x1024xf32, #tpu.memory_space<vmem>>, vector<1x16xf32>,
        %parallel_loop3A_654 = vector.shape_cast %parallel_loop3A_653 : vector<1x16xf32> to vector<16xf32>
        %parallel_loop3A_655 = vector.shape_cast %parallel_loop3A_650 : vector<16xf32> to vector<1x16xf32>
        tpu.vector_store %arg6[%parallel_loop3A_651, %parallel_loop3A_652], %parallel_loop3A_655 {strides = array<i32>} : memref<32x1024xf32, #tpu.memory_space<vmem>>, vector<1x16xf32>,
        %parallel_loop3A_656 = arith.index_cast %parallel_loop3A_63 : i32 to index
        %parallel_loop3A_657 = arith.constant 672 : index
        %parallel_loop3A_658 = tpu.vector_load %arg6[%parallel_loop3A_656, %parallel_loop3A_657] {strides = array<i32>} : memref<32x1024xf32, #tpu.memory_space<vmem>>, vector<1x16xf32>,
        %parallel_loop3A_659 = vector.shape_cast %parallel_loop3A_658 : vector<1x16xf32> to vector<16xf32>
        %parallel_loop3A_660 = arith.index_cast %parallel_loop3A_67 : i32 to index
        %parallel_loop3A_661 = arith.constant 672 : index
        %parallel_loop3A_662 = tpu.vector_load %arg5[%parallel_loop3A_660, %parallel_loop3A_661] {strides = array<i32>} : memref<80x1024xf32, #tpu.memory_space<vmem>>, vector<1x16xf32>,
        %parallel_loop3A_663 = vector.shape_cast %parallel_loop3A_662 : vector<1x16xf32> to vector<16xf32>
        %parallel_loop3A_664 = arith.addf %parallel_loop3A_659, %parallel_loop3A_663 : vector<16xf32>
        %parallel_loop3A_665 = arith.index_cast %parallel_loop3A_63 : i32 to index
        %parallel_loop3A_666 = arith.constant 672 : index
        %parallel_loop3A_667 = tpu.vector_load %arg6[%parallel_loop3A_665, %parallel_loop3A_666] {strides = array<i32>} : memref<32x1024xf32, #tpu.memory_space<vmem>>, vector<1x16xf32>,
        %parallel_loop3A_668 = vector.shape_cast %parallel_loop3A_667 : vector<1x16xf32> to vector<16xf32>
        %parallel_loop3A_669 = vector.shape_cast %parallel_loop3A_664 : vector<16xf32> to vector<1x16xf32>
        tpu.vector_store %arg6[%parallel_loop3A_665, %parallel_loop3A_666], %parallel_loop3A_669 {strides = array<i32>} : memref<32x1024xf32, #tpu.memory_space<vmem>>, vector<1x16xf32>,
        %parallel_loop3A_670 = arith.index_cast %parallel_loop3A_63 : i32 to index
        %parallel_loop3A_671 = arith.constant 688 : index
        %parallel_loop3A_672 = tpu.vector_load %arg6[%parallel_loop3A_670, %parallel_loop3A_671] {strides = array<i32>} : memref<32x1024xf32, #tpu.memory_space<vmem>>, vector<1x16xf32>,
        %parallel_loop3A_673 = vector.shape_cast %parallel_loop3A_672 : vector<1x16xf32> to vector<16xf32>
        %parallel_loop3A_674 = arith.index_cast %parallel_loop3A_67 : i32 to index
        %parallel_loop3A_675 = arith.constant 688 : index
        %parallel_loop3A_676 = tpu.vector_load %arg5[%parallel_loop3A_674, %parallel_loop3A_675] {strides = array<i32>} : memref<80x1024xf32, #tpu.memory_space<vmem>>, vector<1x16xf32>,
        %parallel_loop3A_677 = vector.shape_cast %parallel_loop3A_676 : vector<1x16xf32> to vector<16xf32>
        %parallel_loop3A_678 = arith.addf %parallel_loop3A_673, %parallel_loop3A_677 : vector<16xf32>
        %parallel_loop3A_679 = arith.index_cast %parallel_loop3A_63 : i32 to index
        %parallel_loop3A_680 = arith.constant 688 : index
        %parallel_loop3A_681 = tpu.vector_load %arg6[%parallel_loop3A_679, %parallel_loop3A_680] {strides = array<i32>} : memref<32x1024xf32, #tpu.memory_space<vmem>>, vector<1x16xf32>,
        %parallel_loop3A_682 = vector.shape_cast %parallel_loop3A_681 : vector<1x16xf32> to vector<16xf32>
        %parallel_loop3A_683 = vector.shape_cast %parallel_loop3A_678 : vector<16xf32> to vector<1x16xf32>
        tpu.vector_store %arg6[%parallel_loop3A_679, %parallel_loop3A_680], %parallel_loop3A_683 {strides = array<i32>} : memref<32x1024xf32, #tpu.memory_space<vmem>>, vector<1x16xf32>,
        %parallel_loop3A_684 = arith.index_cast %parallel_loop3A_63 : i32 to index
        %parallel_loop3A_685 = arith.constant 704 : index
        %parallel_loop3A_686 = tpu.vector_load %arg6[%parallel_loop3A_684, %parallel_loop3A_685] {strides = array<i32>} : memref<32x1024xf32, #tpu.memory_space<vmem>>, vector<1x16xf32>,
        %parallel_loop3A_687 = vector.shape_cast %parallel_loop3A_686 : vector<1x16xf32> to vector<16xf32>
        %parallel_loop3A_688 = arith.index_cast %parallel_loop3A_67 : i32 to index
        %parallel_loop3A_689 = arith.constant 704 : index
        %parallel_loop3A_690 = tpu.vector_load %arg5[%parallel_loop3A_688, %parallel_loop3A_689] {strides = array<i32>} : memref<80x1024xf32, #tpu.memory_space<vmem>>, vector<1x16xf32>,
        %parallel_loop3A_691 = vector.shape_cast %parallel_loop3A_690 : vector<1x16xf32> to vector<16xf32>
        %parallel_loop3A_692 = arith.addf %parallel_loop3A_687, %parallel_loop3A_691 : vector<16xf32>
        %parallel_loop3A_693 = arith.index_cast %parallel_loop3A_63 : i32 to index
        %parallel_loop3A_694 = arith.constant 704 : index
        %parallel_loop3A_695 = tpu.vector_load %arg6[%parallel_loop3A_693, %parallel_loop3A_694] {strides = array<i32>} : memref<32x1024xf32, #tpu.memory_space<vmem>>, vector<1x16xf32>,
        %parallel_loop3A_696 = vector.shape_cast %parallel_loop3A_695 : vector<1x16xf32> to vector<16xf32>
        %parallel_loop3A_697 = vector.shape_cast %parallel_loop3A_692 : vector<16xf32> to vector<1x16xf32>
        tpu.vector_store %arg6[%parallel_loop3A_693, %parallel_loop3A_694], %parallel_loop3A_697 {strides = array<i32>} : memref<32x1024xf32, #tpu.memory_space<vmem>>, vector<1x16xf32>,
        %parallel_loop3A_698 = arith.index_cast %parallel_loop3A_63 : i32 to index
        %parallel_loop3A_699 = arith.constant 720 : index
        %parallel_loop3A_700 = tpu.vector_load %arg6[%parallel_loop3A_698, %parallel_loop3A_699] {strides = array<i32>} : memref<32x1024xf32, #tpu.memory_space<vmem>>, vector<1x16xf32>,
        %parallel_loop3A_701 = vector.shape_cast %parallel_loop3A_700 : vector<1x16xf32> to vector<16xf32>
        %parallel_loop3A_702 = arith.index_cast %parallel_loop3A_67 : i32 to index
        %parallel_loop3A_703 = arith.constant 720 : index
        %parallel_loop3A_704 = tpu.vector_load %arg5[%parallel_loop3A_702, %parallel_loop3A_703] {strides = array<i32>} : memref<80x1024xf32, #tpu.memory_space<vmem>>, vector<1x16xf32>,
        %parallel_loop3A_705 = vector.shape_cast %parallel_loop3A_704 : vector<1x16xf32> to vector<16xf32>
        %parallel_loop3A_706 = arith.addf %parallel_loop3A_701, %parallel_loop3A_705 : vector<16xf32>
        %parallel_loop3A_707 = arith.index_cast %parallel_loop3A_63 : i32 to index
        %parallel_loop3A_708 = arith.constant 720 : index
        %parallel_loop3A_709 = tpu.vector_load %arg6[%parallel_loop3A_707, %parallel_loop3A_708] {strides = array<i32>} : memref<32x1024xf32, #tpu.memory_space<vmem>>, vector<1x16xf32>,
        %parallel_loop3A_710 = vector.shape_cast %parallel_loop3A_709 : vector<1x16xf32> to vector<16xf32>
        %parallel_loop3A_711 = vector.shape_cast %parallel_loop3A_706 : vector<16xf32> to vector<1x16xf32>
        tpu.vector_store %arg6[%parallel_loop3A_707, %parallel_loop3A_708], %parallel_loop3A_711 {strides = array<i32>} : memref<32x1024xf32, #tpu.memory_space<vmem>>, vector<1x16xf32>,
        %parallel_loop3A_712 = arith.index_cast %parallel_loop3A_63 : i32 to index
        %parallel_loop3A_713 = arith.constant 736 : index
        %parallel_loop3A_714 = tpu.vector_load %arg6[%parallel_loop3A_712, %parallel_loop3A_713] {strides = array<i32>} : memref<32x1024xf32, #tpu.memory_space<vmem>>, vector<1x16xf32>,
        %parallel_loop3A_715 = vector.shape_cast %parallel_loop3A_714 : vector<1x16xf32> to vector<16xf32>
        %parallel_loop3A_716 = arith.index_cast %parallel_loop3A_67 : i32 to index
        %parallel_loop3A_717 = arith.constant 736 : index
        %parallel_loop3A_718 = tpu.vector_load %arg5[%parallel_loop3A_716, %parallel_loop3A_717] {strides = array<i32>} : memref<80x1024xf32, #tpu.memory_space<vmem>>, vector<1x16xf32>,
        %parallel_loop3A_719 = vector.shape_cast %parallel_loop3A_718 : vector<1x16xf32> to vector<16xf32>
        %parallel_loop3A_720 = arith.addf %parallel_loop3A_715, %parallel_loop3A_719 : vector<16xf32>
        %parallel_loop3A_721 = arith.index_cast %parallel_loop3A_63 : i32 to index
        %parallel_loop3A_722 = arith.constant 736 : index
        %parallel_loop3A_723 = tpu.vector_load %arg6[%parallel_loop3A_721, %parallel_loop3A_722] {strides = array<i32>} : memref<32x1024xf32, #tpu.memory_space<vmem>>, vector<1x16xf32>,
        %parallel_loop3A_724 = vector.shape_cast %parallel_loop3A_723 : vector<1x16xf32> to vector<16xf32>
        %parallel_loop3A_725 = vector.shape_cast %parallel_loop3A_720 : vector<16xf32> to vector<1x16xf32>
        tpu.vector_store %arg6[%parallel_loop3A_721, %parallel_loop3A_722], %parallel_loop3A_725 {strides = array<i32>} : memref<32x1024xf32, #tpu.memory_space<vmem>>, vector<1x16xf32>,
        %parallel_loop3A_726 = arith.index_cast %parallel_loop3A_63 : i32 to index
        %parallel_loop3A_727 = arith.constant 752 : index
        %parallel_loop3A_728 = tpu.vector_load %arg6[%parallel_loop3A_726, %parallel_loop3A_727] {strides = array<i32>} : memref<32x1024xf32, #tpu.memory_space<vmem>>, vector<1x16xf32>,
        %parallel_loop3A_729 = vector.shape_cast %parallel_loop3A_728 : vector<1x16xf32> to vector<16xf32>
        %parallel_loop3A_730 = arith.index_cast %parallel_loop3A_67 : i32 to index
        %parallel_loop3A_731 = arith.constant 752 : index
        %parallel_loop3A_732 = tpu.vector_load %arg5[%parallel_loop3A_730, %parallel_loop3A_731] {strides = array<i32>} : memref<80x1024xf32, #tpu.memory_space<vmem>>, vector<1x16xf32>,
        %parallel_loop3A_733 = vector.shape_cast %parallel_loop3A_732 : vector<1x16xf32> to vector<16xf32>
        %parallel_loop3A_734 = arith.addf %parallel_loop3A_729, %parallel_loop3A_733 : vector<16xf32>
        %parallel_loop3A_735 = arith.index_cast %parallel_loop3A_63 : i32 to index
        %parallel_loop3A_736 = arith.constant 752 : index
        %parallel_loop3A_737 = tpu.vector_load %arg6[%parallel_loop3A_735, %parallel_loop3A_736] {strides = array<i32>} : memref<32x1024xf32, #tpu.memory_space<vmem>>, vector<1x16xf32>,
        %parallel_loop3A_738 = vector.shape_cast %parallel_loop3A_737 : vector<1x16xf32> to vector<16xf32>
        %parallel_loop3A_739 = vector.shape_cast %parallel_loop3A_734 : vector<16xf32> to vector<1x16xf32>
        tpu.vector_store %arg6[%parallel_loop3A_735, %parallel_loop3A_736], %parallel_loop3A_739 {strides = array<i32>} : memref<32x1024xf32, #tpu.memory_space<vmem>>, vector<1x16xf32>,
        %parallel_loop3A_740 = arith.index_cast %parallel_loop3A_63 : i32 to index
        %parallel_loop3A_741 = arith.constant 768 : index
        %parallel_loop3A_742 = tpu.vector_load %arg6[%parallel_loop3A_740, %parallel_loop3A_741] {strides = array<i32>} : memref<32x1024xf32, #tpu.memory_space<vmem>>, vector<1x16xf32>,
        %parallel_loop3A_743 = vector.shape_cast %parallel_loop3A_742 : vector<1x16xf32> to vector<16xf32>
        %parallel_loop3A_744 = arith.index_cast %parallel_loop3A_67 : i32 to index
        %parallel_loop3A_745 = arith.constant 768 : index
        %parallel_loop3A_746 = tpu.vector_load %arg5[%parallel_loop3A_744, %parallel_loop3A_745] {strides = array<i32>} : memref<80x1024xf32, #tpu.memory_space<vmem>>, vector<1x16xf32>,
        %parallel_loop3A_747 = vector.shape_cast %parallel_loop3A_746 : vector<1x16xf32> to vector<16xf32>
        %parallel_loop3A_748 = arith.addf %parallel_loop3A_743, %parallel_loop3A_747 : vector<16xf32>
        %parallel_loop3A_749 = arith.index_cast %parallel_loop3A_63 : i32 to index
        %parallel_loop3A_750 = arith.constant 768 : index
        %parallel_loop3A_751 = tpu.vector_load %arg6[%parallel_loop3A_749, %parallel_loop3A_750] {strides = array<i32>} : memref<32x1024xf32, #tpu.memory_space<vmem>>, vector<1x16xf32>,
        %parallel_loop3A_752 = vector.shape_cast %parallel_loop3A_751 : vector<1x16xf32> to vector<16xf32>
        %parallel_loop3A_753 = vector.shape_cast %parallel_loop3A_748 : vector<16xf32> to vector<1x16xf32>
        tpu.vector_store %arg6[%parallel_loop3A_749, %parallel_loop3A_750], %parallel_loop3A_753 {strides = array<i32>} : memref<32x1024xf32, #tpu.memory_space<vmem>>, vector<1x16xf32>,
        %parallel_loop3A_754 = arith.index_cast %parallel_loop3A_63 : i32 to index
        %parallel_loop3A_755 = arith.constant 784 : index
        %parallel_loop3A_756 = tpu.vector_load %arg6[%parallel_loop3A_754, %parallel_loop3A_755] {strides = array<i32>} : memref<32x1024xf32, #tpu.memory_space<vmem>>, vector<1x16xf32>,
        %parallel_loop3A_757 = vector.shape_cast %parallel_loop3A_756 : vector<1x16xf32> to vector<16xf32>
        %parallel_loop3A_758 = arith.index_cast %parallel_loop3A_67 : i32 to index
        %parallel_loop3A_759 = arith.constant 784 : index
        %parallel_loop3A_760 = tpu.vector_load %arg5[%parallel_loop3A_758, %parallel_loop3A_759] {strides = array<i32>} : memref<80x1024xf32, #tpu.memory_space<vmem>>, vector<1x16xf32>,
        %parallel_loop3A_761 = vector.shape_cast %parallel_loop3A_760 : vector<1x16xf32> to vector<16xf32>
        %parallel_loop3A_762 = arith.addf %parallel_loop3A_757, %parallel_loop3A_761 : vector<16xf32>
        %parallel_loop3A_763 = arith.index_cast %parallel_loop3A_63 : i32 to index
        %parallel_loop3A_764 = arith.constant 784 : index
        %parallel_loop3A_765 = tpu.vector_load %arg6[%parallel_loop3A_763, %parallel_loop3A_764] {strides = array<i32>} : memref<32x1024xf32, #tpu.memory_space<vmem>>, vector<1x16xf32>,
        %parallel_loop3A_766 = vector.shape_cast %parallel_loop3A_765 : vector<1x16xf32> to vector<16xf32>
        %parallel_loop3A_767 = vector.shape_cast %parallel_loop3A_762 : vector<16xf32> to vector<1x16xf32>
        tpu.vector_store %arg6[%parallel_loop3A_763, %parallel_loop3A_764], %parallel_loop3A_767 {strides = array<i32>} : memref<32x1024xf32, #tpu.memory_space<vmem>>, vector<1x16xf32>,
        %parallel_loop3A_768 = arith.index_cast %parallel_loop3A_63 : i32 to index
        %parallel_loop3A_769 = arith.constant 800 : index
        %parallel_loop3A_770 = tpu.vector_load %arg6[%parallel_loop3A_768, %parallel_loop3A_769] {strides = array<i32>} : memref<32x1024xf32, #tpu.memory_space<vmem>>, vector<1x16xf32>,
        %parallel_loop3A_771 = vector.shape_cast %parallel_loop3A_770 : vector<1x16xf32> to vector<16xf32>
        %parallel_loop3A_772 = arith.index_cast %parallel_loop3A_67 : i32 to index
        %parallel_loop3A_773 = arith.constant 800 : index
        %parallel_loop3A_774 = tpu.vector_load %arg5[%parallel_loop3A_772, %parallel_loop3A_773] {strides = array<i32>} : memref<80x1024xf32, #tpu.memory_space<vmem>>, vector<1x16xf32>,
        %parallel_loop3A_775 = vector.shape_cast %parallel_loop3A_774 : vector<1x16xf32> to vector<16xf32>
        %parallel_loop3A_776 = arith.addf %parallel_loop3A_771, %parallel_loop3A_775 : vector<16xf32>
        %parallel_loop3A_777 = arith.index_cast %parallel_loop3A_63 : i32 to index
        %parallel_loop3A_778 = arith.constant 800 : index
        %parallel_loop3A_779 = tpu.vector_load %arg6[%parallel_loop3A_777, %parallel_loop3A_778] {strides = array<i32>} : memref<32x1024xf32, #tpu.memory_space<vmem>>, vector<1x16xf32>,
        %parallel_loop3A_780 = vector.shape_cast %parallel_loop3A_779 : vector<1x16xf32> to vector<16xf32>
        %parallel_loop3A_781 = vector.shape_cast %parallel_loop3A_776 : vector<16xf32> to vector<1x16xf32>
        tpu.vector_store %arg6[%parallel_loop3A_777, %parallel_loop3A_778], %parallel_loop3A_781 {strides = array<i32>} : memref<32x1024xf32, #tpu.memory_space<vmem>>, vector<1x16xf32>,
        %parallel_loop3A_782 = arith.index_cast %parallel_loop3A_63 : i32 to index
        %parallel_loop3A_783 = arith.constant 816 : index
        %parallel_loop3A_784 = tpu.vector_load %arg6[%parallel_loop3A_782, %parallel_loop3A_783] {strides = array<i32>} : memref<32x1024xf32, #tpu.memory_space<vmem>>, vector<1x16xf32>,
        %parallel_loop3A_785 = vector.shape_cast %parallel_loop3A_784 : vector<1x16xf32> to vector<16xf32>
        %parallel_loop3A_786 = arith.index_cast %parallel_loop3A_67 : i32 to index
        %parallel_loop3A_787 = arith.constant 816 : index
        %parallel_loop3A_788 = tpu.vector_load %arg5[%parallel_loop3A_786, %parallel_loop3A_787] {strides = array<i32>} : memref<80x1024xf32, #tpu.memory_space<vmem>>, vector<1x16xf32>,
        %parallel_loop3A_789 = vector.shape_cast %parallel_loop3A_788 : vector<1x16xf32> to vector<16xf32>
        %parallel_loop3A_790 = arith.addf %parallel_loop3A_785, %parallel_loop3A_789 : vector<16xf32>
        %parallel_loop3A_791 = arith.index_cast %parallel_loop3A_63 : i32 to index
        %parallel_loop3A_792 = arith.constant 816 : index
        %parallel_loop3A_793 = tpu.vector_load %arg6[%parallel_loop3A_791, %parallel_loop3A_792] {strides = array<i32>} : memref<32x1024xf32, #tpu.memory_space<vmem>>, vector<1x16xf32>,
        %parallel_loop3A_794 = vector.shape_cast %parallel_loop3A_793 : vector<1x16xf32> to vector<16xf32>
        %parallel_loop3A_795 = vector.shape_cast %parallel_loop3A_790 : vector<16xf32> to vector<1x16xf32>
        tpu.vector_store %arg6[%parallel_loop3A_791, %parallel_loop3A_792], %parallel_loop3A_795 {strides = array<i32>} : memref<32x1024xf32, #tpu.memory_space<vmem>>, vector<1x16xf32>,
        %parallel_loop3A_796 = arith.index_cast %parallel_loop3A_63 : i32 to index
        %parallel_loop3A_797 = arith.constant 832 : index
        %parallel_loop3A_798 = tpu.vector_load %arg6[%parallel_loop3A_796, %parallel_loop3A_797] {strides = array<i32>} : memref<32x1024xf32, #tpu.memory_space<vmem>>, vector<1x16xf32>,
        %parallel_loop3A_799 = vector.shape_cast %parallel_loop3A_798 : vector<1x16xf32> to vector<16xf32>
        %parallel_loop3A_800 = arith.index_cast %parallel_loop3A_67 : i32 to index
        %parallel_loop3A_801 = arith.constant 832 : index
        %parallel_loop3A_802 = tpu.vector_load %arg5[%parallel_loop3A_800, %parallel_loop3A_801] {strides = array<i32>} : memref<80x1024xf32, #tpu.memory_space<vmem>>, vector<1x16xf32>,
        %parallel_loop3A_803 = vector.shape_cast %parallel_loop3A_802 : vector<1x16xf32> to vector<16xf32>
        %parallel_loop3A_804 = arith.addf %parallel_loop3A_799, %parallel_loop3A_803 : vector<16xf32>
        %parallel_loop3A_805 = arith.index_cast %parallel_loop3A_63 : i32 to index
        %parallel_loop3A_806 = arith.constant 832 : index
        %parallel_loop3A_807 = tpu.vector_load %arg6[%parallel_loop3A_805, %parallel_loop3A_806] {strides = array<i32>} : memref<32x1024xf32, #tpu.memory_space<vmem>>, vector<1x16xf32>,
        %parallel_loop3A_808 = vector.shape_cast %parallel_loop3A_807 : vector<1x16xf32> to vector<16xf32>
        %parallel_loop3A_809 = vector.shape_cast %parallel_loop3A_804 : vector<16xf32> to vector<1x16xf32>
        tpu.vector_store %arg6[%parallel_loop3A_805, %parallel_loop3A_806], %parallel_loop3A_809 {strides = array<i32>} : memref<32x1024xf32, #tpu.memory_space<vmem>>, vector<1x16xf32>,
        %parallel_loop3A_810 = arith.index_cast %parallel_loop3A_63 : i32 to index
        %parallel_loop3A_811 = arith.constant 848 : index
        %parallel_loop3A_812 = tpu.vector_load %arg6[%parallel_loop3A_810, %parallel_loop3A_811] {strides = array<i32>} : memref<32x1024xf32, #tpu.memory_space<vmem>>, vector<1x16xf32>,
        %parallel_loop3A_813 = vector.shape_cast %parallel_loop3A_812 : vector<1x16xf32> to vector<16xf32>
        %parallel_loop3A_814 = arith.index_cast %parallel_loop3A_67 : i32 to index
        %parallel_loop3A_815 = arith.constant 848 : index
        %parallel_loop3A_816 = tpu.vector_load %arg5[%parallel_loop3A_814, %parallel_loop3A_815] {strides = array<i32>} : memref<80x1024xf32, #tpu.memory_space<vmem>>, vector<1x16xf32>,
        %parallel_loop3A_817 = vector.shape_cast %parallel_loop3A_816 : vector<1x16xf32> to vector<16xf32>
        %parallel_loop3A_818 = arith.addf %parallel_loop3A_813, %parallel_loop3A_817 : vector<16xf32>
        %parallel_loop3A_819 = arith.index_cast %parallel_loop3A_63 : i32 to index
        %parallel_loop3A_820 = arith.constant 848 : index
        %parallel_loop3A_821 = tpu.vector_load %arg6[%parallel_loop3A_819, %parallel_loop3A_820] {strides = array<i32>} : memref<32x1024xf32, #tpu.memory_space<vmem>>, vector<1x16xf32>,
        %parallel_loop3A_822 = vector.shape_cast %parallel_loop3A_821 : vector<1x16xf32> to vector<16xf32>
        %parallel_loop3A_823 = vector.shape_cast %parallel_loop3A_818 : vector<16xf32> to vector<1x16xf32>
        tpu.vector_store %arg6[%parallel_loop3A_819, %parallel_loop3A_820], %parallel_loop3A_823 {strides = array<i32>} : memref<32x1024xf32, #tpu.memory_space<vmem>>, vector<1x16xf32>,
        %parallel_loop3A_824 = arith.index_cast %parallel_loop3A_63 : i32 to index
        %parallel_loop3A_825 = arith.constant 864 : index
        %parallel_loop3A_826 = tpu.vector_load %arg6[%parallel_loop3A_824, %parallel_loop3A_825] {strides = array<i32>} : memref<32x1024xf32, #tpu.memory_space<vmem>>, vector<1x16xf32>,
        %parallel_loop3A_827 = vector.shape_cast %parallel_loop3A_826 : vector<1x16xf32> to vector<16xf32>
        %parallel_loop3A_828 = arith.index_cast %parallel_loop3A_67 : i32 to index
        %parallel_loop3A_829 = arith.constant 864 : index
        %parallel_loop3A_830 = tpu.vector_load %arg5[%parallel_loop3A_828, %parallel_loop3A_829] {strides = array<i32>} : memref<80x1024xf32, #tpu.memory_space<vmem>>, vector<1x16xf32>,
        %parallel_loop3A_831 = vector.shape_cast %parallel_loop3A_830 : vector<1x16xf32> to vector<16xf32>
        %parallel_loop3A_832 = arith.addf %parallel_loop3A_827, %parallel_loop3A_831 : vector<16xf32>
        %parallel_loop3A_833 = arith.index_cast %parallel_loop3A_63 : i32 to index
        %parallel_loop3A_834 = arith.constant 864 : index
        %parallel_loop3A_835 = tpu.vector_load %arg6[%parallel_loop3A_833, %parallel_loop3A_834] {strides = array<i32>} : memref<32x1024xf32, #tpu.memory_space<vmem>>, vector<1x16xf32>,
        %parallel_loop3A_836 = vector.shape_cast %parallel_loop3A_835 : vector<1x16xf32> to vector<16xf32>
        %parallel_loop3A_837 = vector.shape_cast %parallel_loop3A_832 : vector<16xf32> to vector<1x16xf32>
        tpu.vector_store %arg6[%parallel_loop3A_833, %parallel_loop3A_834], %parallel_loop3A_837 {strides = array<i32>} : memref<32x1024xf32, #tpu.memory_space<vmem>>, vector<1x16xf32>,
        %parallel_loop3A_838 = arith.index_cast %parallel_loop3A_63 : i32 to index
        %parallel_loop3A_839 = arith.constant 880 : index
        %parallel_loop3A_840 = tpu.vector_load %arg6[%parallel_loop3A_838, %parallel_loop3A_839] {strides = array<i32>} : memref<32x1024xf32, #tpu.memory_space<vmem>>, vector<1x16xf32>,
        %parallel_loop3A_841 = vector.shape_cast %parallel_loop3A_840 : vector<1x16xf32> to vector<16xf32>
        %parallel_loop3A_842 = arith.index_cast %parallel_loop3A_67 : i32 to index
        %parallel_loop3A_843 = arith.constant 880 : index
        %parallel_loop3A_844 = tpu.vector_load %arg5[%parallel_loop3A_842, %parallel_loop3A_843] {strides = array<i32>} : memref<80x1024xf32, #tpu.memory_space<vmem>>, vector<1x16xf32>,
        %parallel_loop3A_845 = vector.shape_cast %parallel_loop3A_844 : vector<1x16xf32> to vector<16xf32>
        %parallel_loop3A_846 = arith.addf %parallel_loop3A_841, %parallel_loop3A_845 : vector<16xf32>
        %parallel_loop3A_847 = arith.index_cast %parallel_loop3A_63 : i32 to index
        %parallel_loop3A_848 = arith.constant 880 : index
        %parallel_loop3A_849 = tpu.vector_load %arg6[%parallel_loop3A_847, %parallel_loop3A_848] {strides = array<i32>} : memref<32x1024xf32, #tpu.memory_space<vmem>>, vector<1x16xf32>,
        %parallel_loop3A_850 = vector.shape_cast %parallel_loop3A_849 : vector<1x16xf32> to vector<16xf32>
        %parallel_loop3A_851 = vector.shape_cast %parallel_loop3A_846 : vector<16xf32> to vector<1x16xf32>
        tpu.vector_store %arg6[%parallel_loop3A_847, %parallel_loop3A_848], %parallel_loop3A_851 {strides = array<i32>} : memref<32x1024xf32, #tpu.memory_space<vmem>>, vector<1x16xf32>,
        %parallel_loop3A_852 = arith.index_cast %parallel_loop3A_63 : i32 to index
        %parallel_loop3A_853 = arith.constant 896 : index
        %parallel_loop3A_854 = tpu.vector_load %arg6[%parallel_loop3A_852, %parallel_loop3A_853] {strides = array<i32>} : memref<32x1024xf32, #tpu.memory_space<vmem>>, vector<1x16xf32>,
        %parallel_loop3A_855 = vector.shape_cast %parallel_loop3A_854 : vector<1x16xf32> to vector<16xf32>
        %parallel_loop3A_856 = arith.index_cast %parallel_loop3A_67 : i32 to index
        %parallel_loop3A_857 = arith.constant 896 : index
        %parallel_loop3A_858 = tpu.vector_load %arg5[%parallel_loop3A_856, %parallel_loop3A_857] {strides = array<i32>} : memref<80x1024xf32, #tpu.memory_space<vmem>>, vector<1x16xf32>,
        %parallel_loop3A_859 = vector.shape_cast %parallel_loop3A_858 : vector<1x16xf32> to vector<16xf32>
        %parallel_loop3A_860 = arith.addf %parallel_loop3A_855, %parallel_loop3A_859 : vector<16xf32>
        %parallel_loop3A_861 = arith.index_cast %parallel_loop3A_63 : i32 to index
        %parallel_loop3A_862 = arith.constant 896 : index
        %parallel_loop3A_863 = tpu.vector_load %arg6[%parallel_loop3A_861, %parallel_loop3A_862] {strides = array<i32>} : memref<32x1024xf32, #tpu.memory_space<vmem>>, vector<1x16xf32>,
        %parallel_loop3A_864 = vector.shape_cast %parallel_loop3A_863 : vector<1x16xf32> to vector<16xf32>
        %parallel_loop3A_865 = vector.shape_cast %parallel_loop3A_860 : vector<16xf32> to vector<1x16xf32>
        tpu.vector_store %arg6[%parallel_loop3A_861, %parallel_loop3A_862], %parallel_loop3A_865 {strides = array<i32>} : memref<32x1024xf32, #tpu.memory_space<vmem>>, vector<1x16xf32>,
        %parallel_loop3A_866 = arith.index_cast %parallel_loop3A_63 : i32 to index
        %parallel_loop3A_867 = arith.constant 912 : index
        %parallel_loop3A_868 = tpu.vector_load %arg6[%parallel_loop3A_866, %parallel_loop3A_867] {strides = array<i32>} : memref<32x1024xf32, #tpu.memory_space<vmem>>, vector<1x16xf32>,
        %parallel_loop3A_869 = vector.shape_cast %parallel_loop3A_868 : vector<1x16xf32> to vector<16xf32>
        %parallel_loop3A_870 = arith.index_cast %parallel_loop3A_67 : i32 to index
        %parallel_loop3A_871 = arith.constant 912 : index
        %parallel_loop3A_872 = tpu.vector_load %arg5[%parallel_loop3A_870, %parallel_loop3A_871] {strides = array<i32>} : memref<80x1024xf32, #tpu.memory_space<vmem>>, vector<1x16xf32>,
        %parallel_loop3A_873 = vector.shape_cast %parallel_loop3A_872 : vector<1x16xf32> to vector<16xf32>
        %parallel_loop3A_874 = arith.addf %parallel_loop3A_869, %parallel_loop3A_873 : vector<16xf32>
        %parallel_loop3A_875 = arith.index_cast %parallel_loop3A_63 : i32 to index
        %parallel_loop3A_876 = arith.constant 912 : index
        %parallel_loop3A_877 = tpu.vector_load %arg6[%parallel_loop3A_875, %parallel_loop3A_876] {strides = array<i32>} : memref<32x1024xf32, #tpu.memory_space<vmem>>, vector<1x16xf32>,
        %parallel_loop3A_878 = vector.shape_cast %parallel_loop3A_877 : vector<1x16xf32> to vector<16xf32>
        %parallel_loop3A_879 = vector.shape_cast %parallel_loop3A_874 : vector<16xf32> to vector<1x16xf32>
        tpu.vector_store %arg6[%parallel_loop3A_875, %parallel_loop3A_876], %parallel_loop3A_879 {strides = array<i32>} : memref<32x1024xf32, #tpu.memory_space<vmem>>, vector<1x16xf32>,
        %parallel_loop3A_880 = arith.index_cast %parallel_loop3A_63 : i32 to index
        %parallel_loop3A_881 = arith.constant 928 : index
        %parallel_loop3A_882 = tpu.vector_load %arg6[%parallel_loop3A_880, %parallel_loop3A_881] {strides = array<i32>} : memref<32x1024xf32, #tpu.memory_space<vmem>>, vector<1x16xf32>,
        %parallel_loop3A_883 = vector.shape_cast %parallel_loop3A_882 : vector<1x16xf32> to vector<16xf32>
        %parallel_loop3A_884 = arith.index_cast %parallel_loop3A_67 : i32 to index
        %parallel_loop3A_885 = arith.constant 928 : index
        %parallel_loop3A_886 = tpu.vector_load %arg5[%parallel_loop3A_884, %parallel_loop3A_885] {strides = array<i32>} : memref<80x1024xf32, #tpu.memory_space<vmem>>, vector<1x16xf32>,
        %parallel_loop3A_887 = vector.shape_cast %parallel_loop3A_886 : vector<1x16xf32> to vector<16xf32>
        %parallel_loop3A_888 = arith.addf %parallel_loop3A_883, %parallel_loop3A_887 : vector<16xf32>
        %parallel_loop3A_889 = arith.index_cast %parallel_loop3A_63 : i32 to index
        %parallel_loop3A_890 = arith.constant 928 : index
        %parallel_loop3A_891 = tpu.vector_load %arg6[%parallel_loop3A_889, %parallel_loop3A_890] {strides = array<i32>} : memref<32x1024xf32, #tpu.memory_space<vmem>>, vector<1x16xf32>,
        %parallel_loop3A_892 = vector.shape_cast %parallel_loop3A_891 : vector<1x16xf32> to vector<16xf32>
        %parallel_loop3A_893 = vector.shape_cast %parallel_loop3A_888 : vector<16xf32> to vector<1x16xf32>
        tpu.vector_store %arg6[%parallel_loop3A_889, %parallel_loop3A_890], %parallel_loop3A_893 {strides = array<i32>} : memref<32x1024xf32, #tpu.memory_space<vmem>>, vector<1x16xf32>,
        %parallel_loop3A_894 = arith.index_cast %parallel_loop3A_63 : i32 to index
        %parallel_loop3A_895 = arith.constant 944 : index
        %parallel_loop3A_896 = tpu.vector_load %arg6[%parallel_loop3A_894, %parallel_loop3A_895] {strides = array<i32>} : memref<32x1024xf32, #tpu.memory_space<vmem>>, vector<1x16xf32>,
        %parallel_loop3A_897 = vector.shape_cast %parallel_loop3A_896 : vector<1x16xf32> to vector<16xf32>
        %parallel_loop3A_898 = arith.index_cast %parallel_loop3A_67 : i32 to index
        %parallel_loop3A_899 = arith.constant 944 : index
        %parallel_loop3A_900 = tpu.vector_load %arg5[%parallel_loop3A_898, %parallel_loop3A_899] {strides = array<i32>} : memref<80x1024xf32, #tpu.memory_space<vmem>>, vector<1x16xf32>,
        %parallel_loop3A_901 = vector.shape_cast %parallel_loop3A_900 : vector<1x16xf32> to vector<16xf32>
        %parallel_loop3A_902 = arith.addf %parallel_loop3A_897, %parallel_loop3A_901 : vector<16xf32>
        %parallel_loop3A_903 = arith.index_cast %parallel_loop3A_63 : i32 to index
        %parallel_loop3A_904 = arith.constant 944 : index
        %parallel_loop3A_905 = tpu.vector_load %arg6[%parallel_loop3A_903, %parallel_loop3A_904] {strides = array<i32>} : memref<32x1024xf32, #tpu.memory_space<vmem>>, vector<1x16xf32>,
        %parallel_loop3A_906 = vector.shape_cast %parallel_loop3A_905 : vector<1x16xf32> to vector<16xf32>
        %parallel_loop3A_907 = vector.shape_cast %parallel_loop3A_902 : vector<16xf32> to vector<1x16xf32>
        tpu.vector_store %arg6[%parallel_loop3A_903, %parallel_loop3A_904], %parallel_loop3A_907 {strides = array<i32>} : memref<32x1024xf32, #tpu.memory_space<vmem>>, vector<1x16xf32>,
        %parallel_loop3A_908 = arith.index_cast %parallel_loop3A_63 : i32 to index
        %parallel_loop3A_909 = arith.constant 960 : index
        %parallel_loop3A_910 = tpu.vector_load %arg6[%parallel_loop3A_908, %parallel_loop3A_909] {strides = array<i32>} : memref<32x1024xf32, #tpu.memory_space<vmem>>, vector<1x16xf32>,
        %parallel_loop3A_911 = vector.shape_cast %parallel_loop3A_910 : vector<1x16xf32> to vector<16xf32>
        %parallel_loop3A_912 = arith.index_cast %parallel_loop3A_67 : i32 to index
        %parallel_loop3A_913 = arith.constant 960 : index
        %parallel_loop3A_914 = tpu.vector_load %arg5[%parallel_loop3A_912, %parallel_loop3A_913] {strides = array<i32>} : memref<80x1024xf32, #tpu.memory_space<vmem>>, vector<1x16xf32>,
        %parallel_loop3A_915 = vector.shape_cast %parallel_loop3A_914 : vector<1x16xf32> to vector<16xf32>
        %parallel_loop3A_916 = arith.addf %parallel_loop3A_911, %parallel_loop3A_915 : vector<16xf32>
        %parallel_loop3A_917 = arith.index_cast %parallel_loop3A_63 : i32 to index
        %parallel_loop3A_918 = arith.constant 960 : index
        %parallel_loop3A_919 = tpu.vector_load %arg6[%parallel_loop3A_917, %parallel_loop3A_918] {strides = array<i32>} : memref<32x1024xf32, #tpu.memory_space<vmem>>, vector<1x16xf32>,
        %parallel_loop3A_920 = vector.shape_cast %parallel_loop3A_919 : vector<1x16xf32> to vector<16xf32>
        %parallel_loop3A_921 = vector.shape_cast %parallel_loop3A_916 : vector<16xf32> to vector<1x16xf32>
        tpu.vector_store %arg6[%parallel_loop3A_917, %parallel_loop3A_918], %parallel_loop3A_921 {strides = array<i32>} : memref<32x1024xf32, #tpu.memory_space<vmem>>, vector<1x16xf32>,
        %parallel_loop3A_922 = arith.index_cast %parallel_loop3A_63 : i32 to index
        %parallel_loop3A_923 = arith.constant 976 : index
        %parallel_loop3A_924 = tpu.vector_load %arg6[%parallel_loop3A_922, %parallel_loop3A_923] {strides = array<i32>} : memref<32x1024xf32, #tpu.memory_space<vmem>>, vector<1x16xf32>,
        %parallel_loop3A_925 = vector.shape_cast %parallel_loop3A_924 : vector<1x16xf32> to vector<16xf32>
        %parallel_loop3A_926 = arith.index_cast %parallel_loop3A_67 : i32 to index
        %parallel_loop3A_927 = arith.constant 976 : index
        %parallel_loop3A_928 = tpu.vector_load %arg5[%parallel_loop3A_926, %parallel_loop3A_927] {strides = array<i32>} : memref<80x1024xf32, #tpu.memory_space<vmem>>, vector<1x16xf32>,
        %parallel_loop3A_929 = vector.shape_cast %parallel_loop3A_928 : vector<1x16xf32> to vector<16xf32>
        %parallel_loop3A_930 = arith.addf %parallel_loop3A_925, %parallel_loop3A_929 : vector<16xf32>
        %parallel_loop3A_931 = arith.index_cast %parallel_loop3A_63 : i32 to index
        %parallel_loop3A_932 = arith.constant 976 : index
        %parallel_loop3A_933 = tpu.vector_load %arg6[%parallel_loop3A_931, %parallel_loop3A_932] {strides = array<i32>} : memref<32x1024xf32, #tpu.memory_space<vmem>>, vector<1x16xf32>,
        %parallel_loop3A_934 = vector.shape_cast %parallel_loop3A_933 : vector<1x16xf32> to vector<16xf32>
        %parallel_loop3A_935 = vector.shape_cast %parallel_loop3A_930 : vector<16xf32> to vector<1x16xf32>
        tpu.vector_store %arg6[%parallel_loop3A_931, %parallel_loop3A_932], %parallel_loop3A_935 {strides = array<i32>} : memref<32x1024xf32, #tpu.memory_space<vmem>>, vector<1x16xf32>,
        %parallel_loop3A_936 = arith.index_cast %parallel_loop3A_63 : i32 to index
        %parallel_loop3A_937 = arith.constant 992 : index
        %parallel_loop3A_938 = tpu.vector_load %arg6[%parallel_loop3A_936, %parallel_loop3A_937] {strides = array<i32>} : memref<32x1024xf32, #tpu.memory_space<vmem>>, vector<1x16xf32>,
        %parallel_loop3A_939 = vector.shape_cast %parallel_loop3A_938 : vector<1x16xf32> to vector<16xf32>
        %parallel_loop3A_940 = arith.index_cast %parallel_loop3A_67 : i32 to index
        %parallel_loop3A_941 = arith.constant 992 : index
        %parallel_loop3A_942 = tpu.vector_load %arg5[%parallel_loop3A_940, %parallel_loop3A_941] {strides = array<i32>} : memref<80x1024xf32, #tpu.memory_space<vmem>>, vector<1x16xf32>,
        %parallel_loop3A_943 = vector.shape_cast %parallel_loop3A_942 : vector<1x16xf32> to vector<16xf32>
        %parallel_loop3A_944 = arith.addf %parallel_loop3A_939, %parallel_loop3A_943 : vector<16xf32>
        %parallel_loop3A_945 = arith.index_cast %parallel_loop3A_63 : i32 to index
        %parallel_loop3A_946 = arith.constant 992 : index
        %parallel_loop3A_947 = tpu.vector_load %arg6[%parallel_loop3A_945, %parallel_loop3A_946] {strides = array<i32>} : memref<32x1024xf32, #tpu.memory_space<vmem>>, vector<1x16xf32>,
        %parallel_loop3A_948 = vector.shape_cast %parallel_loop3A_947 : vector<1x16xf32> to vector<16xf32>
        %parallel_loop3A_949 = vector.shape_cast %parallel_loop3A_944 : vector<16xf32> to vector<1x16xf32>
        tpu.vector_store %arg6[%parallel_loop3A_945, %parallel_loop3A_946], %parallel_loop3A_949 {strides = array<i32>} : memref<32x1024xf32, #tpu.memory_space<vmem>>, vector<1x16xf32>,
        %parallel_loop3A_950 = arith.index_cast %parallel_loop3A_63 : i32 to index
        %parallel_loop3A_951 = arith.constant 1008 : index
        %parallel_loop3A_952 = tpu.vector_load %arg6[%parallel_loop3A_950, %parallel_loop3A_951] {strides = array<i32>} : memref<32x1024xf32, #tpu.memory_space<vmem>>, vector<1x16xf32>,
        %parallel_loop3A_953 = vector.shape_cast %parallel_loop3A_952 : vector<1x16xf32> to vector<16xf32>
        %parallel_loop3A_954 = arith.index_cast %parallel_loop3A_67 : i32 to index
        %parallel_loop3A_955 = arith.constant 1008 : index
        %parallel_loop3A_956 = tpu.vector_load %arg5[%parallel_loop3A_954, %parallel_loop3A_955] {strides = array<i32>} : memref<80x1024xf32, #tpu.memory_space<vmem>>, vector<1x16xf32>,
        %parallel_loop3A_957 = vector.shape_cast %parallel_loop3A_956 : vector<1x16xf32> to vector<16xf32>
        %parallel_loop3A_958 = arith.addf %parallel_loop3A_953, %parallel_loop3A_957 : vector<16xf32>
        %parallel_loop3A_959 = arith.index_cast %parallel_loop3A_63 : i32 to index
        %parallel_loop3A_960 = arith.constant 1008 : index
        %parallel_loop3A_961 = tpu.vector_load %arg6[%parallel_loop3A_959, %parallel_loop3A_960] {strides = array<i32>} : memref<32x1024xf32, #tpu.memory_space<vmem>>, vector<1x16xf32>,
        %parallel_loop3A_962 = vector.shape_cast %parallel_loop3A_961 : vector<1x16xf32> to vector<16xf32>
        %parallel_loop3A_963 = vector.shape_cast %parallel_loop3A_958 : vector<16xf32> to vector<1x16xf32>
        tpu.vector_store %arg6[%parallel_loop3A_959, %parallel_loop3A_960], %parallel_loop3A_963 {strides = array<i32>} : memref<32x1024xf32, #tpu.memory_space<vmem>>, vector<1x16xf32>,
      } {sc.loop_unroll_factor = 4 : i64, sc.parallel_access}
      %mul3A_60 = arith.constant 32 : i32
      %mul3A_61 = arith.muli %select_n3A_54, %mul3A_60 : i32
      %add3A_62 = arith.addi %mul3A_2, %mul3A_61 : i32
      "tpu.region"() ({
        %run_scoped3A = tpu.sem_alloc : memref<!tpu.dma_semaphore, #tpu.memory_space<semaphore_mem>>
        %dma_start3A = arith.constant 0 : i32
        %dma_start3A_63 = tpu.memref_slice %arg4[%select_n3A_39, %add3A_62, %dma_start3A] : memref<4x2048x1024xf32, #tpu.memory_space<hbm>> -> memref<1x32x1024xf32, #tpu.memory_space<hbm>>
        %dma_start3A_64 = tpu.memref_squeeze %dma_start3A_63 : memref<1x32x1024xf32, #tpu.memory_space<hbm>> -> memref<32x1024xf32, #tpu.memory_space<hbm>>
        %dma_start3A_65 = arith.constant 0 : i32
        %dma_start3A_66 = tpu.memref_slice %arg4[%select_n3A_39, %add3A_62, %dma_start3A_65] : memref<4x2048x1024xf32, #tpu.memory_space<hbm>> -> memref<1x32x1024xf32, #tpu.memory_space<hbm>>
        %dma_start3A_67 = tpu.memref_squeeze %dma_start3A_66 : memref<1x32x1024xf32, #tpu.memory_space<hbm>> -> memref<32x1024xf32, #tpu.memory_space<hbm>>
        tpu.enqueue_dma source(%arg6 : memref<32x1024xf32, #tpu.memory_space<vmem>>) target(%dma_start3A_67 : memref<32x1024xf32, #tpu.memory_space<hbm>>) target_semaphore(%run_scoped3A : memref<!tpu.dma_semaphore, #tpu.memory_space<semaphore_mem>>)
        %dma_wait3A = arith.constant 0 : i32
        %dma_wait3A_68 = tpu.memref_slice %arg4[%select_n3A_39, %add3A_62, %dma_wait3A] : memref<4x2048x1024xf32, #tpu.memory_space<hbm>> -> memref<1x32x1024xf32, #tpu.memory_space<hbm>>
        %dma_wait3A_69 = tpu.memref_squeeze %dma_wait3A_68 : memref<1x32x1024xf32, #tpu.memory_space<hbm>> -> memref<32x1024xf32, #tpu.memory_space<hbm>>
        %dma_wait3A_70 = arith.constant 0 : i32
        %dma_wait3A_71 = tpu.memref_slice %arg4[%select_n3A_39, %add3A_62, %dma_wait3A_70] : memref<4x2048x1024xf32, #tpu.memory_space<hbm>> -> memref<1x32x1024xf32, #tpu.memory_space<hbm>>
        %dma_wait3A_72 = tpu.memref_squeeze %dma_wait3A_71 : memref<1x32x1024xf32, #tpu.memory_space<hbm>> -> memref<32x1024xf32, #tpu.memory_space<hbm>>
        tpu.wait_dma2 semaphore(%run_scoped3A : memref<!tpu.dma_semaphore, #tpu.memory_space<semaphore_mem>>) src(%arg6 : memref<32x1024xf32, #tpu.memory_space<vmem>>) dst(%dma_wait3A_72 : memref<32x1024xf32, #tpu.memory_space<hbm>>)
        tpu.yield
      }) : () -> ()
    }
    %scan3A_19 = arith.constant 8 : i32
    return
  }
}

</mosaic_0001>

<sc_bundles>
// kernel: kernel.3.cloned.1.call-start
scs
__scs_entry_jumppad:
0x0: {  	(pc) =	sbr.rel $0x88, $3  }
0x1: {  	(tag) =	ssettag $0x0;
	lr =	simm.s32 $0x1  }
0x2: {  	[smem:$0x3F9F] =	sst lr;
	_ =	strace $0xD0000000  }
0x3: {  	_ = 	snop  }
0x4: {  	_ = 	snop  }
0x5: {  	_ = 	snop  }
0x6: {  	_ = 	snop  }
0x7: {  	_ = 	snop  }
__scs_overlays_trampoline_lowered:
0x8: {  	[smem:$0x3FAE] =	sst s0  }
0x9: {  	[smem:$0x3FAF] =	sst s1  }
0xa: {  	[smem:$0x3FB0] =	sst s2  }
0xb: {  	[smem:$0x3FB1] =	sst s3  }
0xc: {  	[smem:$0x3FB2] =	sst s4  }
0xd: {  	[smem:$0x3FB3] =	sst s5  }
0xe: {  	[smem:$0x3FB4] =	sst s6  }
0xf: {  	[smem:$0x3FB5] =	sst s7  }
0x10: {  	[smem:$0x3FB6] =	sst s8  }
0x11: {  	[smem:$0x3FB7] =	sst s9;
	s0 =	simm.s32 @!p0 $0x0  }
0x12: {  	s1 =	sld [smem:$0x3F9D];
	s0 =	simm.s32 @p0 $0x1  }
0x13: {  	[smem:$0x3FB8] =	sst s0;
	s0 =	simm.s32 @!p1 $0x0  }
0x14: {  	s2 =	sld [smem:$0x3F9C];
	s0 =	simm.s32 @p1 $0x1  }
0x15: {  	[smem:$0x3FB9] =	sst s0;
	s0 =	simm.s32 @!p2 $0x0  }
0x16: {  	s3 =	sld [smem:$0x3FDB];
	s0 =	simm.s32 @p2 $0x1  }
0x17: {  	s4 =	simm.s32 $0x1BF5;
	[smem:$0x3FBB] =	sst s0  }
0x18: {  	s0 =	sld [smem:$0x3F9E];
	_ =	swait.ge [sflag:s4], $0x0  }
0x19: {  	s7 =	sld [smem:$0x3F9F]  }
0x1a: {  	s8 =	sadd.s32 $0xFFFFE003, lr  }
0x1b: {  	s9 =	sadd.s32 $0xFFFFFEF7, lr;
	s5 =	simm.s32 $0xFFFFFFFF;
	p2 =	slt.u32 s8, $0xFFFFF086  }
0x1c: {  	p1 =	slt.u32 s9, $0xF7A;
	s5 =	simm.s32 @!p2 $0x0  }
0x1d: {  	s5 =	simm.s32 @p1 $0x1;
	p0 =	seq.s32 s7, s2  }
0x1e: {  	s7 =	smul.u32 @!p0 $0xF7A, s2;
	p2 =	seq.s32 @!p0 s5, $0x0  }
0x1f: {  	s9 =	smul.u32 $0xF7A, s1;
	s8 =	simm.s32 @!p0 $0x1BF5;
	p2 =	por !p2, p0  }
0x20: {  	[sflag:s8] =	ssyncset.s32 @!p0 $0xFFFFF086;
	s6 =	sadd.s32 @!p0 s3, s7;
	s7 =	simm.s32 @!p0 $0x108  }
0x21: {  	s3 =	sadd.s32 s3, s9;
	s6 =	sadd.s32 @!p0 $0x88, s6;
	s7 =	simm.s32 @p2 $0x1082  }
0x22: {  	[simem:s7], [sflag:s8] =	dma.local @!p0 [hbm:s6], $0xF7A  }
0x23: {  	s9 =	sor.u32 $0xD0000000, s2;
	s6 =	simm.s32 $0x108;
	_ =	swait.ge @!p0 [sflag:s8], $0x0  }
0x24: {  	s3 =	sadd.s32 $0x88, s3;
	s6 =	simm.s32 @!p1 $0x1082;
	[sflag:s4] =	ssyncset.s32 $0xFFFFF086  }
0x25: {  	[simem:s6], [sflag:s4] =	dma.local [hbm:s3], $0xF7A  }
0x26: {  	[smem:$0x3F9F] =	sst s1;
	(tag) =	ssettag s2;
	_ =	strace s9  }
0x27: {  	s1 =	sld [smem:$0x3FAF]  }
0x28: {  	s2 =	sld [smem:$0x3FB0]  }
0x29: {  	s4 =	sld [smem:$0x3FB2]  }
0x2a: {  	p0 =	seq.s32 s5, $0x0;
	s5 =	sld [smem:$0x3FB3]  }
0x2b: {  	s6 =	sld [smem:$0x3FB4]  }
0x2c: {  	s7 =	sld [smem:$0x3FB5]  }
0x2d: {  	s3 =	simm.s32 $0x108;
	s8 =	sld [smem:$0x3FB6]  }
0x2e: {  	s3 =	simm.s32 @!p0 $0x1082;
	s9 =	sld [smem:$0x3FB7]  }
0x2f: {  	lr =	sadd.s32 s0, s3;
	s0 =	sld [smem:$0x3FAE]  }
0x30: {  	s3 =	sld [smem:$0x3FB1]  }
0x31: {  	[smem:$0x3FBA] =	sst s10  }
0x32: {  	s10 =	sld [smem:$0x3FB8];
	_ =	sdelay $0x3  }
0x33: {  	p0 =	seq.s32 s10, $0x1;
	s10 =	sld [smem:$0x3FBA];
	_ =	sdelay $0x3  }
0x34: {  	[smem:$0x3FBA] =	sst s10  }
0x35: {  	s10 =	sld [smem:$0x3FB9];
	_ =	sdelay $0x3  }
0x36: {  	p1 =	seq.s32 s10, $0x1;
	s10 =	sld [smem:$0x3FBA];
	_ =	sdelay $0x3  }
0x37: {  	[smem:$0x3FBA] =	sst s10  }
0x38: {  	s10 =	sld [smem:$0x3FBB]  }
0x39: {  	_ = 	snop;
	(pc) =	sbr.ind lr, $3  }
0x3a: {  	_ = 	snop  }
0x3b: {  	_ = 	snop  }
0x3c: {  	p2 =	seq.s32 s10, $0x1;
	s10 =	sld [smem:$0x3FBA]  }
0x3d: {  	_ =	shalt  }
0x3e: {  	_ =	shalt  }
0x3f: {  	_ =	shalt  }
0x40: {  	_ =	shalt  }
0x41: {  	_ =	shalt  }
0x42: {  	_ =	shalt  }
0x43: {  	_ =	shalt  }
0x44: {  	_ =	shalt  }
0x45: {  	_ =	shalt  }
0x46: {  	_ =	shalt  }
0x47: {  	_ =	shalt  }
0x48: {  	_ =	shalt  }
0x49: {  	_ =	shalt  }
0x4a: {  	_ =	shalt  }
0x4b: {  	_ =	shalt  }
0x4c: {  	_ =	shalt  }
0x4d: {  	_ =	shalt  }
0x4e: {  	_ =	shalt  }
0x4f: {  	_ =	shalt  }
0x50: {  	_ =	shalt  }
0x51: {  	_ =	shalt  }
0x52: {  	_ =	shalt  }
0x53: {  	_ =	shalt  }
0x54: {  	_ =	shalt  }
0x55: {  	_ =	shalt  }
0x56: {  	_ =	shalt  }
0x57: {  	_ =	shalt  }
0x58: {  	_ =	shalt  }
0x59: {  	_ =	shalt  }
0x5a: {  	_ =	shalt  }
0x5b: {  	_ =	shalt  }
0x5c: {  	_ =	shalt  }
0x5d: {  	_ =	shalt  }
0x5e: {  	_ =	shalt  }
0x5f: {  	_ =	shalt  }
0x60: {  	_ =	shalt  }
0x61: {  	_ =	shalt  }
0x62: {  	_ =	shalt  }
0x63: {  	_ =	shalt  }
0x64: {  	_ =	shalt  }
0x65: {  	_ =	shalt  }
0x66: {  	_ =	shalt  }
0x67: {  	_ =	shalt  }
0x68: {  	_ =	shalt  }
0x69: {  	_ =	shalt  }
0x6a: {  	_ =	shalt  }
0x6b: {  	_ =	shalt  }
0x6c: {  	_ =	shalt  }
0x6d: {  	_ =	shalt  }
0x6e: {  	_ =	shalt  }
0x6f: {  	_ =	shalt  }
0x70: {  	_ =	shalt  }
0x71: {  	_ =	shalt  }
0x72: {  	_ =	shalt  }
0x73: {  	_ =	shalt  }
0x74: {  	_ =	shalt  }
0x75: {  	_ =	shalt  }
0x76: {  	_ =	shalt  }
0x77: {  	_ =	shalt  }
0x78: {  	_ =	shalt  }
0x79: {  	_ =	shalt  }
0x7a: {  	_ =	shalt  }
0x7b: {  	_ =	shalt  }
0x7c: {  	_ =	shalt  }
0x7d: {  	_ =	shalt  }
0x7e: {  	_ =	shalt  }
0x7f: {  	_ =	shalt  }
0x80: {  	_ =	shalt  }
0x81: {  	_ =	shalt  }
0x82: {  	_ =	shalt  }
0x83: {  	_ =	shalt  }
0x84: {  	_ =	shalt  }
0x85: {  	_ =	shalt  }
0x86: {  	_ =	shalt  }
0x87: {  	_ =	shalt  }
.Lfunc_end0:
.L_simem_size_0:
called_computation_lowered:
.L_overlay_start_0:
0x88: {  	s2 =	sld [smem:$0x3FD9]  }
0x89: {  	s3 =	sld [smem:$0x3FFE];
	_ =	sdelay $0x1  }
0x8a: {  	s1 =	srdreg.scid  }
0x8b: {  	s0 =	sand.u32 $0x1, s1  }
0x8c: {  	s18 =	sshll.u32 s0, $0xA;
	s2 =	sadd.s32 s3, s2  }
0x8d: {  	s2 =	sadd.s32 s2, s18  }
0x8e: {  	[smem:$0x3FC6] =	sst s2  }
0x8f: {  	_ = 	snop  }
0x90: {  	s2 =	sld [smem:$0x3FC9]  }
0x91: {  	s19 =	sld [smem:$0x3FC8]  }
0x92: {  	s4 =	sld [smem:$0x3FD0];
	(tm) =	ssettm $0x1  }
0x93: {  	s5 =	sld [smem:$0x3FFB];
	_ =	sdelay $0x3  }
0x94: {  	_ =	strace s5  }
0x95: {  	s5 =	sld [smem:$0x3FFC];
	_ =	sdelay $0x3  }
0x96: {  	_ =	strace s5  }
0x97: {  	s5 =	sld [smem:$0x3FFD];
	_ =	sdelay $0x3  }
0x98: {  	_ =	strace s5  }
0x99: {  	_ =	strace $0x8FFFFFFF  }
0x9a: {  	s20 =	sld [smem:$0x3FDB];
	_ =	sdelay $0x1  }
0x9b: {  	s6 =	simm.s32 $_scs_section_size  }
0x9c: {  	s7 =	simm.s32 $_size__tile_overlayer_lowered;
	s8 =	simm.s32 $_tile_overlayer_lowered  }
0x9d: {  	s23 =	simm.s32 $0x1BFF;
	s22 =	sshll.u32 s8, $0x1;
	s5 =	sadd.s32 s6, s20  }
0x9e: {  	s9 =	simm.s32 $0x0;
	s21 =	sshll.u32 s7, $0x1;
	s7 =	sadd.s32 s22, s5  }
0x9f: {  	[timem:s9], [sflag:s23] =	dma.local [hbm:s7], s21  }
0xa0: {  	_ =	swait.ge [sflag:s23], s21  }
0xa1: {  	s6 =	ssub.s32 $0x0, s21;
	[sflag:s23] =	ssyncset.done $0x0  }
0xa2: {  	[sflag:s23] =	ssyncadd.s32 s6;
	_ =	sdelay $0x1  }
0xa3: {  	s24 =	simm.s32 $0x1B8B  }
0xa4: {  	_ =	swait.ge [sflag:s24], $0x1  }
0xa5: {  	[sflag:s24] =	ssyncset.done $0x0  }
0xa6: {  	s25 =	simm.s32 $0x1B8E;
	[sflag:s24] =	ssyncadd.s32 $0xFFFFFFFF  }
0xa7: {  	s26 =	simm.s32 $execute0_lowered;
	[smem:$0x3FD2] =	sst s25  }
0xa8: {  	s6 =	sshll.u32 s26, $0x1;
	_ =	strace $0x80000046;
	[dreg:$0x1] =	wrdreg $0xFFFFFFFF  }
0xa9: {  	s28 =	simm.s32 $_size_execute0_lowered;
	s5 =	sadd.s32 s5, s6;
	[dreg:$0x0] =	wrdreg $0x0  }
0xaa: {  	s6 =	sshll.u32 s28, $0x1;
	[dreg:$0x2] =	wrdreg s5  }
0xab: {  	[dreg:$0x3] =	wrdreg s6  }
0xac: {  	[dreg:$0x4] =	wrdreg $0xC0  }
0xad: {  	_ =	task [dreg:s9], $0x5FFFF  }
0xae: {  	[dreg:$0x1] =	wrdreg $0xFFFFFFFF  }
0xaf: {  	[dreg:$0x0] =	wrdreg $0x60  }
0xb0: {  	[dreg:$0x2] =	wrdreg s2  }
0xb1: {  	[dreg:$0x3] =	wrdreg s19  }
0xb2: {  	[dreg:$0x4] =	wrdreg s4  }
0xb3: {  	[dreg:$0x5] =	wrdreg $0x9  }
0xb4: {  	_ =	task.clear_ibuf [dreg:s9], $0x6FFFF;
	_ =	strace $0x90000046  }
0xb5: {  	s29 =	simm.s32 $0x9;
	_ =	strace $0x80000048  }
0xb6: {  	_ =	swait.ge [sflag:s29], $0x1  }
0xb7: {  	[sflag:s29] =	ssyncadd.s32 $0xFFFFFFFF  }
0xb8: {  	_ =	strace $0x90000048  }
0xb9: {  	_ =	sfence  }
0xba: {  	s30 =	sld [smem:$0x0];
	_ =	sdelay $0x2  }
0xbb: {  	s31 =	sshll.u32 s1, $0xD;
	s1 =	sshrl.u32 s1, $0x2  }
0xbc: {  	s3 =	sand.u32 $0x4000, s31;
	s1 =	sadd.s32 s1, s30  }
0xbd: {  	s0 =	sor.u32 s3, s0;
	s1 =	sshll.u32 s1, $0x11  }
0xbe: {  	s0 =	sor.u32 s1, s0  }
0xbf: {  	s0 =	sadd.s32 $0x8F2B, s0  }
0xc0: {  	[sflag:s0] =	ssyncadd.remote.s32 $0x1  }
0xc1: {  	_ =	sfence.sel $0xFFFF  }
0xc2: {  	[dreg:$0x0] =	wrdreg $0xFFFFFFFF;
	(pc) =	sbr.abs _section_cstart, $3  }
0xc3: {  	[dreg:$0x1] =	wrdreg $0xFFFFFFFF  }
0xc4: {  	_ =	task.clear_ibuf [dreg:s9], $0x2FFFF;
	_ =	strace $0x9FFFFFFF  }
0xc5: {  	(tm) =	ssettm $0x7FFFFFFF  }
tec
execute0_lowered:
.L_overlay_start_1:
0x0: {  	(tag) =	ssettag $0x1  }
0x1: {  	s1 =	srdreg.scid  }
0x2: {  	s0 =	rddreg [dreg:$0x1];
	s3 =	stileid.u32;
	s1 =	sand.u32 $0x1, s1  }
0x3: {  	s4 =	simm.s32 $0x0;
	s2 =	sshll.u32 s1, $0x4;
	s1 =	ssub.s32 $0x2, s1  }
0x4: {  	[smem:$0x7FF] =	sst s4;
	s2 =	sor.u32 s3, s2;
	s28 =	sshrl.u32 s1, $0x1  }
0x5: {  	_ =	strace $0x80000047;
	s29 =	sshll.u32 s2, $0xD;
	s1 =	ssub.s32 s1, s28  }
0x6: {  	[dreg:$0x5] =	wrdreg s29;
	s30 =	sadd.s32 s29, s0;
	s31 =	smax.u32 s1, $0x1  }
0x7: {  	s3 =	sadd.s32 $0x3FC00, s30;
	[dreg:$0x9] =	wrdreg s31  }
0x8: {  	[dreg:$0x6] =	wrdreg s3;
	s3 =	sadd.s32 $0x7FC00, s0;
	s0 =	sadd.s32 $0x7D800, s0  }
0x9: {  	p0 =	seq.s32 s2, $0x1F;
	[dreg:$0x8] =	wrdreg s0  }
0xa: {  	s0 =	sadd.s32 @p0 $0x80, s3;
	[dreg:$0x7] =	wrdreg s3  }
0xb: {  	[dreg:$0xa] =	wrdreg s0;
	s0 =	sadd.s32 @p0 $0x100, s3  }
0xc: {  	[dreg:$0xb] =	wrdreg s0;
	s0 =	sadd.s32 @p0 $0x180, s3  }
0xd: {  	[dreg:$0xc] =	wrdreg s0;
	s0 =	sadd.s32 @p0 $0x200, s3  }
0xe: {  	[dreg:$0xd] =	wrdreg s0;
	s0 =	sadd.s32 @p0 $0x280, s3  }
0xf: {  	[dreg:$0xe] =	wrdreg s0;
	s0 =	sadd.s32 @p0 $0x300, s3  }
0x10: {  	s17 =	simm.s32 $0x1;
	[dreg:$0xf] =	wrdreg s0;
	s0 =	sadd.s32 @p0 $0x380, s3  }
0x11: {  	s4 =	simm.s32 $0x14000;
	s1 =	simm.s32 $0x0;
	[dreg:$0x10] =	wrdreg s0  }
.LBB2_1:
0x12: {  	[dreg:$0x11] =	wrdreg s1  }
0x13: {  	s0 =	simm.s32 @p0 $0x0;
	s1 =	rddreg [dreg:$0x8]  }
0x14: {  	[tilespmem:s0], [sflag:$0x1] =	stream.linear.gather @p0 [hbm4b:s1+s0], $0x12000, $0x38;
	[tilespmem:$0x1C000] =	vst v63  }
0x15: {  	s1 =	simm.s32 @p0 $0x1  }
0x16: {  	_ =	swait.ge @p0 [sflag:s1], $0x12000  }
0x17: {  	[sflag:s1] =	ssyncset.done @p0 $0x0  }
0x18: {  	s2 =	simm.s32 @p0 $0x12000;
	s3 =	rddreg [dreg:$0x7];
	[sflag:s1] =	ssyncadd.s32 @p0 $0xFFFEE000  }
0x19: {  	[tilespmem:s2], [sflag:$0x1] =	stream.linear.gather @p0 [hbm4b:s3+s0], $0x380, $0x38;
	[tilespmem:$0x1C000] =	vst v63  }
0x1a: {  	s2 =	simm.s32 @p0 $0x12400;
	s3 =	rddreg [dreg:$0xa]  }
0x1b: {  	[tilespmem:s2], [sflag:$0x1] =	stream.linear.gather @p0 [hbm4b:s3+s0], $0x380, $0x38;
	[tilespmem:$0x1C000] =	vst v63  }
0x1c: {  	s2 =	simm.s32 @p0 $0x12800;
	s3 =	rddreg [dreg:$0xb]  }
0x1d: {  	[tilespmem:s2], [sflag:$0x1] =	stream.linear.gather @p0 [hbm4b:s3+s0], $0x380, $0x38;
	[tilespmem:$0x1C000] =	vst v63  }
0x1e: {  	s2 =	simm.s32 @p0 $0x12C00;
	s3 =	rddreg [dreg:$0xc]  }
0x1f: {  	[tilespmem:s2], [sflag:$0x1] =	stream.linear.gather @p0 [hbm4b:s3+s0], $0x380, $0x38;
	[tilespmem:$0x1C000] =	vst v63  }
0x20: {  	s2 =	simm.s32 @p0 $0x13000;
	s3 =	rddreg [dreg:$0xd]  }
0x21: {  	[tilespmem:s2], [sflag:$0x1] =	stream.linear.gather @p0 [hbm4b:s3+s0], $0x380, $0x38;
	[tilespmem:$0x1C000] =	vst v63  }
0x22: {  	s2 =	simm.s32 @p0 $0x13400;
	s3 =	rddreg [dreg:$0xe]  }
0x23: {  	[tilespmem:s2], [sflag:$0x1] =	stream.linear.gather @p0 [hbm4b:s3+s0], $0x380, $0x38;
	[tilespmem:$0x1C000] =	vst v63  }
0x24: {  	s2 =	simm.s32 @p0 $0x13800;
	s3 =	rddreg [dreg:$0xf]  }
0x25: {  	[tilespmem:s2], [sflag:$0x1] =	stream.linear.gather @p0 [hbm4b:s3+s0], $0x380, $0x38;
	[tilespmem:$0x1C000] =	vst v63  }
0x26: {  	s2 =	simm.s32 @p0 $0x13C00;
	s3 =	rddreg [dreg:$0x10]  }
0x27: {  	[tilespmem:s2], [sflag:$0x1] =	stream.linear.gather @p0 [hbm4b:s3+s0], $0x380, $0x38;
	[tilespmem:$0x1C000] =	vst v63  }
0x28: {  	_ =	swait.ge @p0 [sflag:s1], $0x1C00  }
0x29: {  	[sflag:s1] =	ssyncset.done @p0 $0x0  }
0x2a: {  	s0 =	simm.s32 @!p0 $0x0;
	[sflag:s1] =	ssyncadd.s32 @p0 $0xFFFFE400;
	s1 =	rddreg [dreg:$0x6]  }
0x2b: {  	[tilespmem:s0], [sflag:$0x1] =	stream.linear.gather @!p0 [hbm4b:s1+s0], $0x12000, $0x38;
	[tilespmem:$0x1C000] =	vst v63  }
0x2c: {  	s0 =	simm.s32 @!p0 $0x1;
	s1 =	simm.s32 @!p0 $0x7  }
0x2d: {  	p1 =	por $0x0, $0x0;
	_ =	swait.ge @!p0 [sflag:s0], $0x12000;
	s1 =	simm.s32 @p0 $0xF  }
0x2e: {  	s25 =	simm.s32 $0x0;
	[sflag:s0] =	ssyncset.done @!p0 $0x0;
	s31 =	sadd.s32 $0x1, s1  }
0x2f: {  	s20 =	sshll.u32 s1, $0xA;
	[sflag:s0] =	ssyncadd.s32 @!p0 $0xFFFEE000;
	s0 =	sshrl.u32 s31, $0x2  }
0x30: {  	s21 =	sshll.u32 s1, $0x7;
	s23 =	sadd.s32 $0x3, s1;
	s0 =	sand.u32 $0x1, s0  }
0x31: {  	s9 =	sadd.s32 $0x2, s1;
	s22 =	sadd.s32 $0xC00, s20;
	p2 =	seq.s32 s0, $0x1  }
.LBB2_2:
0x32: {  	s0 =	simm.s32 $0x1;
	s14 =	rddreg [dreg:$0x5]  }
0x33: {  	s1 =	sshll.u32 s25, $0x11;
	s2 =	sshll.u32 s25, $0xC;
	s16 =	rddreg [dreg:$0x0]  }
0x34: {  	s29 =	simm.s32 $0x0;
	s6 =	simm.s32 $0x180;
	p3 =	por $0x0, $0x0  }
0x35: {  	s8 =	simm.s32 $0x0;
	p4 =	por p2, p2;
	s10 =	simm.s32 $0x0  }
0x36: {  	s0 =	simm.s32 @!p1 $0x0;
	s1 =	sand.u32 $0xC0000, s1;
	s2 =	sand.u32 $0x1000, s2  }
0x37: {  	s3 =	sshll.u32 s0, $0xC;
	s1 =	sor.u32 s1, s2;
	s15 =	sshll.u32 s0, $0x5  }
0x38: {  	s18 =	sshll.u32 s0, $0xF;
	s28 =	sor.u32 s3, s21;
	s26 =	sor.u32 s14, s1  }
0x39: {  	s19 =	sor.u32 s15, s23;
	s31 =	sor.u32 s18, s20;
	s2 =	sadd.s32 s16, s26  }
0x3a: {  	[tilespmem:s4], [sflag:$0x1] =	stream.linear.gather [hbm4b:s2+s29], $0x8000, $0x38;
	[tilespmem:$0x1C000] =	vst v63  }
0x3b: {  	s24 =	sor.u32 s18, s22;
	s30 =	sshrl.u32 s19, $0x1;
	_ =	swait.ge [sflag:s17], $0x8000  }
0x3c: {  	s0 =	sshrl.u32 s28, $0x7;
	s2 =	simm.s32 $0xFFFFFFFC;
	[sflag:s17] =	ssyncset.done $0x0  }
0x3d: {  	[dreg:$0x4] =	wrdreg s24;
	s24 =	smov.u32 s9;
	[sflag:s17] =	ssyncadd.s32 $0xFFFF8000  }
.LBB2_3:
0x3e: {  	s1 =	sadd.s32 $0xFFFFFE80, s6  }
0x3f: {  	s3 =	sand.u32 $0x6000, s10;
	s4 =	sand.u32 $0x200, s1;
	s1 =	sadd.s32 s6, s28  }
0x40: {  	s19 =	sadd.s32 s10, s31;
	s16 =	sadd.s32 $0x14000, s3;
	s13 =	sadd.s32 $0xFFFFFE80, s1  }
0x41: {  	s7 =	sand.u32 $0x1E000, s19;
	s4 =	sor.u32 s4, s16;
	s3 =	sand.u32 $0x380, s13  }
0x42: {  	v0 =	vld [tilespmem:s4+$0x0];
	s13 =	sor.u32 s3, s7  }
0x43: {  	v1 =	vld [tilespmem:s13+$0x0];
	_ =	sdelay $0x4  }
0x44: {  	v0 =	vadd.f32 v1, v0;
	_ =	sdelay $0x1  }
0x45: {  	v12 =	vld [tilespmem:s4+$0x10];
	[tilespmem:s4+$0x0] =	vst v0  }
0x46: {  	v13 =	vld [tilespmem:s13+$0x10];
	_ =	sdelay $0x4  }
0x47: {  	v0 =	vadd.f32 v13, v12;
	_ =	sdelay $0x1  }
0x48: {  	v14 =	vld [tilespmem:s4+$0x20];
	[tilespmem:s4+$0x10] =	vst v0  }
0x49: {  	v15 =	vld [tilespmem:s13+$0x20];
	_ =	sdelay $0x4  }
0x4a: {  	v0 =	vadd.f32 v15, v14;
	_ =	sdelay $0x1  }
0x4b: {  	v16 =	vld [tilespmem:s4+$0x30];
	[tilespmem:s4+$0x20] =	vst v0  }
0x4c: {  	v17 =	vld [tilespmem:s13+$0x30];
	_ =	sdelay $0x4  }
0x4d: {  	v0 =	vadd.f32 v17, v16;
	_ =	sdelay $0x1  }
0x4e: {  	v18 =	vld [tilespmem:s4+$0x40];
	[tilespmem:s4+$0x30] =	vst v0  }
0x4f: {  	v19 =	vld [tilespmem:s13+$0x40];
	_ =	sdelay $0x4  }
0x50: {  	v0 =	vadd.f32 v19, v18;
	_ =	sdelay $0x1  }
0x51: {  	v20 =	vld [tilespmem:s4+$0x50];
	[tilespmem:s4+$0x40] =	vst v0  }
0x52: {  	v21 =	vld [tilespmem:s13+$0x50];
	_ =	sdelay $0x4  }
0x53: {  	v0 =	vadd.f32 v21, v20;
	_ =	sdelay $0x1  }
0x54: {  	v22 =	vld [tilespmem:s4+$0x60];
	[tilespmem:s4+$0x50] =	vst v0  }
0x55: {  	v23 =	vld [tilespmem:s13+$0x60];
	_ =	sdelay $0x4  }
0x56: {  	v0 =	vadd.f32 v23, v22;
	_ =	sdelay $0x1  }
0x57: {  	v24 =	vld [tilespmem:s4+$0x70];
	[tilespmem:s4+$0x60] =	vst v0  }
0x58: {  	v25 =	vld [tilespmem:s13+$0x70];
	_ =	sdelay $0x4  }
0x59: {  	v0 =	vadd.f32 v25, v24;
	_ =	sdelay $0x1  }
0x5a: {  	v26 =	vld [tilespmem:s4+$0x400];
	[tilespmem:s4+$0x70] =	vst v0  }
0x5b: {  	v27 =	vld [tilespmem:s13+$0x400];
	_ =	sdelay $0x4  }
0x5c: {  	v0 =	vadd.f32 v27, v26;
	_ =	sdelay $0x1  }
0x5d: {  	v28 =	vld [tilespmem:s4+$0x410];
	[tilespmem:s4+$0x400] =	vst v0  }
0x5e: {  	v29 =	vld [tilespmem:s13+$0x410];
	_ =	sdelay $0x4  }
0x5f: {  	v0 =	vadd.f32 v29, v28;
	_ =	sdelay $0x1  }
0x60: {  	v30 =	vld [tilespmem:s4+$0x420];
	[tilespmem:s4+$0x410] =	vst v0  }
0x61: {  	v31 =	vld [tilespmem:s13+$0x420];
	_ =	sdelay $0x4  }
0x62: {  	v0 =	vadd.f32 v31, v30;
	_ =	sdelay $0x1  }
0x63: {  	v32 =	vld [tilespmem:s4+$0x430];
	[tilespmem:s4+$0x420] =	vst v0  }
0x64: {  	v33 =	vld [tilespmem:s13+$0x430];
	_ =	sdelay $0x4  }
0x65: {  	v0 =	vadd.f32 v33, v32;
	_ =	sdelay $0x1  }
0x66: {  	v34 =	vld [tilespmem:s4+$0x440];
	[tilespmem:s4+$0x430] =	vst v0  }
0x67: {  	v35 =	vld [tilespmem:s13+$0x440];
	_ =	sdelay $0x4  }
0x68: {  	v0 =	vadd.f32 v35, v34;
	_ =	sdelay $0x1  }
0x69: {  	v36 =	vld [tilespmem:s4+$0x450];
	[tilespmem:s4+$0x440] =	vst v0  }
0x6a: {  	v37 =	vld [tilespmem:s13+$0x450];
	_ =	sdelay $0x4  }
0x6b: {  	v0 =	vadd.f32 v37, v36;
	_ =	sdelay $0x1  }
0x6c: {  	v38 =	vld [tilespmem:s4+$0x460];
	[tilespmem:s4+$0x450] =	vst v0  }
0x6d: {  	v39 =	vld [tilespmem:s13+$0x460];
	_ =	sdelay $0x4  }
0x6e: {  	v0 =	vadd.f32 v39, v38;
	_ =	sdelay $0x1  }
0x6f: {  	v40 =	vld [tilespmem:s4+$0x470];
	[tilespmem:s4+$0x460] =	vst v0  }
0x70: {  	v41 =	vld [tilespmem:s13+$0x470];
	_ =	sdelay $0x4  }
0x71: {  	v0 =	vadd.f32 v41, v40;
	_ =	sdelay $0x1  }
0x72: {  	v42 =	vld [tilespmem:s4+$0x800];
	[tilespmem:s4+$0x470] =	vst v0  }
0x73: {  	v43 =	vld [tilespmem:s13+$0x800];
	_ =	sdelay $0x4  }
0x74: {  	v0 =	vadd.f32 v43, v42;
	_ =	sdelay $0x1  }
0x75: {  	v44 =	vld [tilespmem:s4+$0x810];
	[tilespmem:s4+$0x800] =	vst v0  }
0x76: {  	v45 =	vld [tilespmem:s13+$0x810];
	_ =	sdelay $0x4  }
0x77: {  	v0 =	vadd.f32 v45, v44;
	_ =	sdelay $0x1  }
0x78: {  	v46 =	vld [tilespmem:s4+$0x820];
	[tilespmem:s4+$0x810] =	vst v0  }
0x79: {  	v47 =	vld [tilespmem:s13+$0x820];
	_ =	sdelay $0x4  }
0x7a: {  	v0 =	vadd.f32 v47, v46;
	_ =	sdelay $0x1  }
0x7b: {  	v48 =	vld [tilespmem:s4+$0x830];
	[tilespmem:s4+$0x820] =	vst v0  }
0x7c: {  	v49 =	vld [tilespmem:s13+$0x830];
	_ =	sdelay $0x4  }
0x7d: {  	v0 =	vadd.f32 v49, v48;
	_ =	sdelay $0x1  }
0x7e: {  	v50 =	vld [tilespmem:s4+$0x840];
	[tilespmem:s4+$0x830] =	vst v0  }
0x7f: {  	v51 =	vld [tilespmem:s13+$0x840];
	_ =	sdelay $0x4  }
0x80: {  	v0 =	vadd.f32 v51, v50;
	_ =	sdelay $0x1  }
0x81: {  	v52 =	vld [tilespmem:s4+$0x850];
	[tilespmem:s4+$0x840] =	vst v0  }
0x82: {  	v53 =	vld [tilespmem:s13+$0x850];
	_ =	sdelay $0x4  }
0x83: {  	v0 =	vadd.f32 v53, v52;
	_ =	sdelay $0x1  }
0x84: {  	v54 =	vld [tilespmem:s4+$0x860];
	[tilespmem:s4+$0x850] =	vst v0  }
0x85: {  	v55 =	vld [tilespmem:s13+$0x860];
	_ =	sdelay $0x4  }
0x86: {  	v0 =	vadd.f32 v55, v54;
	_ =	sdelay $0x1  }
0x87: {  	v56 =	vld [tilespmem:s4+$0x870];
	[tilespmem:s4+$0x860] =	vst v0  }
0x88: {  	v57 =	vld [tilespmem:s13+$0x870];
	_ =	sdelay $0x4  }
0x89: {  	v0 =	vadd.f32 v57, v56;
	_ =	sdelay $0x1  }
0x8a: {  	v58 =	vld [tilespmem:s4+$0xC00];
	[tilespmem:s4+$0x870] =	vst v0  }
0x8b: {  	v59 =	vld [tilespmem:s13+$0xC00];
	_ =	sdelay $0x4  }
0x8c: {  	v0 =	vadd.f32 v59, v58;
	_ =	sdelay $0x1  }
0x8d: {  	v60 =	vld [tilespmem:s4+$0xC10];
	[tilespmem:s4+$0xC00] =	vst v0  }
0x8e: {  	v61 =	vld [tilespmem:s13+$0xC10];
	_ =	sdelay $0x4  }
0x8f: {  	v0 =	vadd.f32 v61, v60;
	_ =	sdelay $0x1  }
0x90: {  	v62 =	vld [tilespmem:s4+$0xC20];
	[tilespmem:s4+$0xC10] =	vst v0  }
0x91: {  	v63 =	vld [tilespmem:s13+$0xC20];
	_ =	sdelay $0x4  }
0x92: {  	v0 =	vadd.f32 v63, v62;
	_ =	sdelay $0x1  }
0x93: {  	v4 =	vld [tilespmem:s4+$0xC30];
	[tilespmem:s4+$0xC20] =	vst v0  }
0x94: {  	v5 =	vld [tilespmem:s13+$0xC30];
	_ =	sdelay $0x4  }
0x95: {  	v0 =	vadd.f32 v5, v4;
	_ =	sdelay $0x1  }
0x96: {  	v6 =	vld [tilespmem:s4+$0xC40];
	[tilespmem:s4+$0xC30] =	vst v0  }
0x97: {  	v7 =	vld [tilespmem:s13+$0xC40];
	_ =	sdelay $0x4  }
0x98: {  	v0 =	vadd.f32 v7, v6;
	_ =	sdelay $0x1  }
0x99: {  	v8 =	vld [tilespmem:s4+$0xC50];
	[tilespmem:s4+$0xC40] =	vst v0  }
0x9a: {  	v9 =	vld [tilespmem:s13+$0xC50];
	_ =	sdelay $0x4  }
0x9b: {  	v0 =	vadd.f32 v9, v8;
	_ =	sdelay $0x1  }
0x9c: {  	v10 =	vld [tilespmem:s4+$0xC60];
	[tilespmem:s4+$0xC50] =	vst v0  }
0x9d: {  	v11 =	vld [tilespmem:s13+$0xC60];
	_ =	sdelay $0x4  }
0x9e: {  	v0 =	vadd.f32 v11, v10;
	_ =	sdelay $0x1  }
0x9f: {  	v12 =	vld [tilespmem:s4+$0xC70];
	[tilespmem:s4+$0xC60] =	vst v0  }
0xa0: {  	v13 =	vld [tilespmem:s13+$0xC70];
	_ =	sdelay $0x1  }
0xa1: {  	s3 =	simm.s32 $0x1  }
0xa2: {  	s3 =	simm.s32 @!p3 $0x0  }
0xa3: {  	s3 =	sshll.u32 s3, $0x9  }
0xa4: {  	s3 =	sadd.s32 s3, s10;
	v0 =	vadd.f32 v13, v12  }
0xa5: {  	s14 =	sor.u32 $0x1000, s3  }
0xa6: {  	v14 =	vld [tilespmem:s14+$0x14000];
	[tilespmem:s4+$0xC70] =	vst v0  }
0xa7: {  	v15 =	vld [tilespmem:s13+$0x1000];
	_ =	sdelay $0x4  }
0xa8: {  	v0 =	vadd.f32 v15, v14;
	_ =	sdelay $0x1  }
0xa9: {  	s15 =	sor.u32 $0x1010, s3;
	[tilespmem:s14+$0x14000] =	vst v0  }
0xaa: {  	v0 =	vld [tilespmem:s15+$0x14000]  }
0xab: {  	v16 =	vld [tilespmem:s13+$0x1010];
	_ =	sdelay $0x4  }
0xac: {  	v0 =	vadd.f32 v16, v0;
	_ =	sdelay $0x1  }
0xad: {  	s18 =	sor.u32 $0x1020, s3;
	[tilespmem:s15+$0x14000] =	vst v0  }
0xae: {  	v0 =	vld [tilespmem:s18+$0x14000]  }
0xaf: {  	v17 =	vld [tilespmem:s13+$0x1020];
	_ =	sdelay $0x4  }
0xb0: {  	v0 =	vadd.f32 v17, v0;
	_ =	sdelay $0x1  }
0xb1: {  	s5 =	sor.u32 $0x1030, s3;
	[tilespmem:s18+$0x14000] =	vst v0  }
0xb2: {  	v0 =	vld [tilespmem:s5+$0x14000]  }
0xb3: {  	v18 =	vld [tilespmem:s13+$0x1030];
	_ =	sdelay $0x4  }
0xb4: {  	v0 =	vadd.f32 v18, v0;
	_ =	sdelay $0x1  }
0xb5: {  	s7 =	sor.u32 $0x1040, s3;
	[tilespmem:s5+$0x14000] =	vst v0  }
0xb6: {  	v0 =	vld [tilespmem:s7+$0x14000]  }
0xb7: {  	v19 =	vld [tilespmem:s13+$0x1040];
	_ =	sdelay $0x4  }
0xb8: {  	v0 =	vadd.f32 v19, v0;
	_ =	sdelay $0x1  }
0xb9: {  	s11 =	sor.u32 $0x1050, s3;
	[tilespmem:s7+$0x14000] =	vst v0  }
0xba: {  	v0 =	vld [tilespmem:s11+$0x14000]  }
0xbb: {  	v20 =	vld [tilespmem:s13+$0x1050];
	_ =	sdelay $0x4  }
0xbc: {  	v0 =	vadd.f32 v20, v0;
	_ =	sdelay $0x1  }
0xbd: {  	s12 =	sor.u32 $0x1060, s3;
	[tilespmem:s11+$0x14000] =	vst v0  }
0xbe: {  	v0 =	vld [tilespmem:s12+$0x14000]  }
0xbf: {  	v21 =	vld [tilespmem:s13+$0x1060];
	_ =	sdelay $0x4  }
0xc0: {  	v0 =	vadd.f32 v21, v0;
	_ =	sdelay $0x1  }
0xc1: {  	s14 =	sor.u32 $0x1070, s3;
	[tilespmem:s12+$0x14000] =	vst v0  }
0xc2: {  	v0 =	vld [tilespmem:s14+$0x14000]  }
0xc3: {  	v22 =	vld [tilespmem:s13+$0x1070];
	_ =	sdelay $0x4  }
0xc4: {  	v0 =	vadd.f32 v22, v0;
	_ =	sdelay $0x1  }
0xc5: {  	s15 =	sor.u32 $0x1400, s3;
	[tilespmem:s14+$0x14000] =	vst v0  }
0xc6: {  	v0 =	vld [tilespmem:s15+$0x14000]  }
0xc7: {  	v23 =	vld [tilespmem:s13+$0x1400];
	_ =	sdelay $0x4  }
0xc8: {  	v0 =	vadd.f32 v23, v0;
	_ =	sdelay $0x1  }
0xc9: {  	s18 =	sor.u32 $0x1410, s3;
	[tilespmem:s15+$0x14000] =	vst v0  }
0xca: {  	v0 =	vld [tilespmem:s18+$0x14000]  }
0xcb: {  	v24 =	vld [tilespmem:s13+$0x1410];
	_ =	sdelay $0x2  }
0xcc: {  	s12 =	sadd.s32 $0xFFFFFF00, s6  }
0xcd: {  	s11 =	sadd.s32 $0x400, s19;
	s7 =	sand.u32 $0x280, s12;
	s12 =	sadd.s32 $0xFFFFFF00, s1  }
0xce: {  	s7 =	sor.u32 s7, s16;
	s12 =	sand.u32 $0x200, s12;
	s14 =	sand.u32 $0x1E000, s11;
	v0 =	vadd.f32 v24, v0  }
0xcf: {  	v2 =	vld [tilespmem:s7+$0x0];
	s12 =	sor.u32 s12, s14  }
0xd0: {  	s5 =	sor.u32 $0x1420, s3;
	v26 =	vld [tilespmem:s12+$0x0];
	[tilespmem:s18+$0x14000] =	vst v0  }
0xd1: {  	v0 =	vld [tilespmem:s5+$0x14000]  }
0xd2: {  	v25 =	vld [tilespmem:s13+$0x1420];
	_ =	sdelay $0x3  }
0xd3: {  	v1 =	vadd.f32 v26, v2  }
0xd4: {  	v0 =	vadd.f32 v25, v0  }
0xd5: {  	v27 =	vld [tilespmem:s7+$0x10];
	[tilespmem:s7+$0x0] =	vst v1  }
0xd6: {  	s14 =	sor.u32 $0x1430, s3;
	v28 =	vld [tilespmem:s12+$0x10];
	[tilespmem:s5+$0x14000] =	vst v0  }
0xd7: {  	v0 =	vld [tilespmem:s14+$0x14000]  }
0xd8: {  	v3 =	vld [tilespmem:s13+$0x1430];
	_ =	sdelay $0x3  }
0xd9: {  	v1 =	vadd.f32 v28, v27  }
0xda: {  	v0 =	vadd.f32 v3, v0  }
0xdb: {  	v30 =	vld [tilespmem:s7+$0x20];
	[tilespmem:s7+$0x10] =	vst v1  }
0xdc: {  	s15 =	sor.u32 $0x1440, s3;
	v31 =	vld [tilespmem:s12+$0x20];
	[tilespmem:s14+$0x14000] =	vst v0  }
0xdd: {  	v0 =	vld [tilespmem:s15+$0x14000]  }
0xde: {  	v29 =	vld [tilespmem:s13+$0x1440];
	_ =	sdelay $0x2  }
0xdf: {  	v1 =	vadd.f32 v31, v30;
	_ =	sdelay $0x1  }
0xe0: {  	v33 =	vld [tilespmem:s7+$0x30];
	[tilespmem:s7+$0x20] =	vst v1;
	v0 =	vadd.f32 v29, v0  }
0xe1: {  	v34 =	vld [tilespmem:s12+$0x30]  }
0xe2: {  	s18 =	sor.u32 $0x1450, s3;
	[tilespmem:s15+$0x14000] =	vst v0  }
0xe3: {  	v0 =	vld [tilespmem:s18+$0x14000]  }
0xe4: {  	v32 =	vld [tilespmem:s13+$0x1450];
	_ =	sdelay $0x1  }
0xe5: {  	v35 =	vadd.f32 v34, v33;
	_ =	sdelay $0x1  }
0xe6: {  	v37 =	vld [tilespmem:s7+$0x40];
	[tilespmem:s7+$0x30] =	vst v35  }
0xe7: {  	v38 =	vld [tilespmem:s12+$0x40];
	v0 =	vadd.f32 v32, v0;
	_ =	sdelay $0x1  }
0xe8: {  	s5 =	sor.u32 $0x1460, s3;
	[tilespmem:s18+$0x14000] =	vst v0  }
0xe9: {  	v36 =	vld [tilespmem:s5+$0x14000]  }
0xea: {  	v39 =	vld [tilespmem:s13+$0x1460]  }
0xeb: {  	v0 =	vadd.f32 v38, v37;
	_ =	sdelay $0x1  }
0xec: {  	v40 =	vld [tilespmem:s7+$0x50];
	[tilespmem:s7+$0x40] =	vst v0  }
0xed: {  	v41 =	vld [tilespmem:s12+$0x50]  }
0xee: {  	v1 =	vadd.f32 v39, v36;
	_ =	sdelay $0x1  }
0xef: {  	s14 =	sor.u32 $0x1470, s3;
	[tilespmem:s5+$0x14000] =	vst v1  }
0xf0: {  	v42 =	vld [tilespmem:s14+$0x14000]  }
0xf1: {  	v0 =	vadd.f32 v41, v40;
	v43 =	vld [tilespmem:s13+$0x1470];
	_ =	sdelay $0x1  }
0xf2: {  	v45 =	vld [tilespmem:s7+$0x60];
	[tilespmem:s7+$0x50] =	vst v0  }
0xf3: {  	v46 =	vld [tilespmem:s12+$0x60];
	_ =	sdelay $0x1  }
0xf4: {  	v44 =	vadd.f32 v43, v42;
	_ =	sdelay $0x1  }
0xf5: {  	s15 =	sor.u32 $0x1800, s3;
	[tilespmem:s14+$0x14000] =	vst v44  }
0xf6: {  	v0 =	vadd.f32 v46, v45;
	v1 =	vld [tilespmem:s15+$0x14000]  }
0xf7: {  	v47 =	vld [tilespmem:s13+$0x1800]  }
0xf8: {  	v48 =	vld [tilespmem:s7+$0x70];
	[tilespmem:s7+$0x60] =	vst v0  }
0xf9: {  	v49 =	vld [tilespmem:s12+$0x70];
	_ =	sdelay $0x2  }
0xfa: {  	v1 =	vadd.f32 v47, v1;
	_ =	sdelay $0x1  }
0xfb: {  	v51 =	vld [tilespmem:s7+$0x400];
	s18 =	sor.u32 $0x1810, s3;
	[tilespmem:s15+$0x14000] =	vst v1;
	v0 =	vadd.f32 v49, v48  }
0xfc: {  	v1 =	vld [tilespmem:s18+$0x14000]  }
0xfd: {  	v50 =	vld [tilespmem:s13+$0x1810];
	[tilespmem:s7+$0x70] =	vst v0  }
0xfe: {  	v52 =	vld [tilespmem:s12+$0x400];
	_ =	sdelay $0x3  }
0xff: {  	v1 =	vadd.f32 v50, v1  }
0x100: {  	v0 =	vadd.f32 v52, v51  }
0x101: {  	v54 =	vld [tilespmem:s7+$0x410];
	s5 =	sor.u32 $0x1820, s3;
	[tilespmem:s18+$0x14000] =	vst v1  }
0x102: {  	v1 =	vld [tilespmem:s5+$0x14000];
	[tilespmem:s7+$0x400] =	vst v0  }
0x103: {  	v55 =	vld [tilespmem:s12+$0x410]  }
0x104: {  	v53 =	vld [tilespmem:s13+$0x1820];
	_ =	sdelay $0x3  }
0x105: {  	v0 =	vadd.f32 v55, v54  }
0x106: {  	v1 =	vadd.f32 v53, v1  }
0x107: {  	v57 =	vld [tilespmem:s7+$0x420];
	[tilespmem:s7+$0x410] =	vst v0  }
0x108: {  	s14 =	sor.u32 $0x1830, s3;
	[tilespmem:s5+$0x14000] =	vst v1;
	v58 =	vld [tilespmem:s12+$0x420]  }
0x109: {  	v1 =	vld [tilespmem:s14+$0x14000]  }
0x10a: {  	v56 =	vld [tilespmem:s13+$0x1830];
	_ =	sdelay $0x2  }
0x10b: {  	v0 =	vadd.f32 v58, v57;
	_ =	sdelay $0x1  }
0x10c: {  	v59 =	vld [tilespmem:s7+$0x430];
	v1 =	vadd.f32 v56, v1;
	[tilespmem:s7+$0x420] =	vst v0  }
0x10d: {  	v60 =	vld [tilespmem:s12+$0x430]  }
0x10e: {  	s15 =	sor.u32 $0x1840, s3;
	[tilespmem:s14+$0x14000] =	vst v1  }
0x10f: {  	v1 =	vld [tilespmem:s15+$0x14000]  }
0x110: {  	v61 =	vld [tilespmem:s13+$0x1840];
	_ =	sdelay $0x1  }
0x111: {  	v0 =	vadd.f32 v60, v59;
	_ =	sdelay $0x1  }
0x112: {  	v62 =	vld [tilespmem:s7+$0x440];
	[tilespmem:s7+$0x430] =	vst v0  }
0x113: {  	v1 =	vadd.f32 v61, v1;
	v63 =	vld [tilespmem:s12+$0x440];
	_ =	sdelay $0x1  }
0x114: {  	s18 =	sor.u32 $0x1850, s3;
	[tilespmem:s15+$0x14000] =	vst v1  }
0x115: {  	v6 =	vld [tilespmem:s18+$0x14000]  }
0x116: {  	v7 =	vld [tilespmem:s13+$0x1850]  }
0x117: {  	v0 =	vadd.f32 v63, v62;
	_ =	sdelay $0x1  }
0x118: {  	v9 =	vld [tilespmem:s7+$0x450];
	[tilespmem:s7+$0x440] =	vst v0  }
0x119: {  	v10 =	vld [tilespmem:s12+$0x450]  }
0x11a: {  	v8 =	vadd.f32 v7, v6;
	_ =	sdelay $0x1  }
0x11b: {  	s5 =	sor.u32 $0x1860, s3;
	[tilespmem:s18+$0x14000] =	vst v8  }
0x11c: {  	v1 =	vld [tilespmem:s5+$0x14000]  }
0x11d: {  	v11 =	vld [tilespmem:s13+$0x1860];
	v0 =	vadd.f32 v10, v9;
	_ =	sdelay $0x1  }
0x11e: {  	v12 =	vld [tilespmem:s7+$0x460];
	[tilespmem:s7+$0x450] =	vst v0  }
0x11f: {  	v13 =	vld [tilespmem:s12+$0x460];
	_ =	sdelay $0x1  }
0x120: {  	v1 =	vadd.f32 v11, v1;
	_ =	sdelay $0x1  }
0x121: {  	s14 =	sor.u32 $0x1870, s3;
	[tilespmem:s5+$0x14000] =	vst v1  }
0x122: {  	v1 =	vld [tilespmem:s14+$0x14000];
	v0 =	vadd.f32 v13, v12  }
0x123: {  	v14 =	vld [tilespmem:s13+$0x1870]  }
0x124: {  	v15 =	vld [tilespmem:s7+$0x470];
	[tilespmem:s7+$0x460] =	vst v0  }
0x125: {  	v16 =	vld [tilespmem:s12+$0x470];
	_ =	sdelay $0x1  }
0x126: {  	s15 =	sand.u32 $0x7, s0  }
0x127: {  	s13 =	sshll.u32 s15, $0x7;
	v1 =	vadd.f32 v14, v1  }
0x128: {  	s13 =	sadd.s32 s13, s31  }
0x129: {  	v18 =	vld [tilespmem:s7+$0x800];
	s18 =	sor.u32 $0x1C00, s3;
	s4 =	sadd.s32 s13, s10;
	[tilespmem:s14+$0x14000] =	vst v1;
	v0 =	vadd.f32 v16, v15  }
0x12a: {  	s13 =	sor.u32 $0x1C00, s4;
	v1 =	vld [tilespmem:s18+$0x14000]  }
0x12b: {  	v17 =	vld [tilespmem:s13+$0x0];
	[tilespmem:s7+$0x470] =	vst v0  }
0x12c: {  	v19 =	vld [tilespmem:s12+$0x800];
	_ =	sdelay $0x3  }
0x12d: {  	v1 =	vadd.f32 v17, v1  }
0x12e: {  	v0 =	vadd.f32 v19, v18  }
0x12f: {  	v21 =	vld [tilespmem:s7+$0x810];
	s5 =	sor.u32 $0x1C10, s3;
	[tilespmem:s18+$0x14000] =	vst v1  }
0x130: {  	v1 =	vld [tilespmem:s5+$0x14000];
	[tilespmem:s7+$0x800] =	vst v0  }
0x131: {  	s15 =	sor.u32 $0x1C10, s4;
	v22 =	vld [tilespmem:s12+$0x810]  }
0x132: {  	v20 =	vld [tilespmem:s15+$0x0];
	_ =	sdelay $0x3  }
0x133: {  	v0 =	vadd.f32 v22, v21  }
0x134: {  	v1 =	vadd.f32 v20, v1  }
0x135: {  	v23 =	vld [tilespmem:s7+$0x820];
	[tilespmem:s7+$0x810] =	vst v0  }
0x136: {  	s18 =	sor.u32 $0x1C20, s3;
	[tilespmem:s5+$0x14000] =	vst v1;
	v24 =	vld [tilespmem:s12+$0x820]  }
0x137: {  	s5 =	sor.u32 $0x1C20, s4;
	v1 =	vld [tilespmem:s18+$0x14000]  }
0x138: {  	v25 =	vld [tilespmem:s5+$0x0];
	_ =	sdelay $0x2  }
0x139: {  	v0 =	vadd.f32 v24, v23;
	_ =	sdelay $0x1  }
0x13a: {  	v26 =	vld [tilespmem:s7+$0x830];
	v1 =	vadd.f32 v25, v1;
	[tilespmem:s7+$0x820] =	vst v0  }
0x13b: {  	v27 =	vld [tilespmem:s12+$0x830]  }
0x13c: {  	s15 =	sor.u32 $0x1C30, s3;
	[tilespmem:s18+$0x14000] =	vst v1  }
0x13d: {  	s18 =	sor.u32 $0x1C30, s4;
	v28 =	vld [tilespmem:s15+$0x14000]  }
0x13e: {  	v29 =	vld [tilespmem:s18+$0x0];
	_ =	sdelay $0x1  }
0x13f: {  	v0 =	vadd.f32 v27, v26;
	_ =	sdelay $0x1  }
0x140: {  	v31 =	vld [tilespmem:s7+$0x840];
	[tilespmem:s7+$0x830] =	vst v0  }
0x141: {  	v30 =	vadd.f32 v29, v28;
	v32 =	vld [tilespmem:s12+$0x840];
	_ =	sdelay $0x1  }
0x142: {  	s5 =	sor.u32 $0x1C40, s3;
	[tilespmem:s15+$0x14000] =	vst v30  }
0x143: {  	s15 =	sor.u32 $0x1C40, s4;
	v1 =	vld [tilespmem:s5+$0x14000]  }
0x144: {  	v33 =	vld [tilespmem:s15+$0x0]  }
0x145: {  	v0 =	vadd.f32 v32, v31;
	_ =	sdelay $0x1  }
0x146: {  	v34 =	vld [tilespmem:s7+$0x850];
	[tilespmem:s7+$0x840] =	vst v0  }
0x147: {  	v35 =	vld [tilespmem:s12+$0x850]  }
0x148: {  	v1 =	vadd.f32 v33, v1;
	_ =	sdelay $0x1  }
0x149: {  	s18 =	sor.u32 $0x1C50, s3;
	[tilespmem:s5+$0x14000] =	vst v1  }
0x14a: {  	s5 =	sor.u32 $0x1C50, s4;
	v1 =	vld [tilespmem:s18+$0x14000]  }
0x14b: {  	v36 =	vld [tilespmem:s5+$0x0];
	v0 =	vadd.f32 v35, v34;
	_ =	sdelay $0x1  }
0x14c: {  	v37 =	vld [tilespmem:s7+$0x860];
	[tilespmem:s7+$0x850] =	vst v0  }
0x14d: {  	v38 =	vld [tilespmem:s12+$0x860];
	_ =	sdelay $0x1  }
0x14e: {  	v1 =	vadd.f32 v36, v1;
	_ =	sdelay $0x1  }
0x14f: {  	s15 =	sor.u32 $0x1C60, s3;
	[tilespmem:s18+$0x14000] =	vst v1  }
0x150: {  	s18 =	sor.u32 $0x1C60, s4;
	v1 =	vld [tilespmem:s15+$0x14000];
	v0 =	vadd.f32 v38, v37  }
0x151: {  	v39 =	vld [tilespmem:s18+$0x0]  }
0x152: {  	v40 =	vld [tilespmem:s7+$0x870];
	[tilespmem:s7+$0x860] =	vst v0  }
0x153: {  	v41 =	vld [tilespmem:s12+$0x870];
	_ =	sdelay $0x2  }
0x154: {  	v1 =	vadd.f32 v39, v1;
	_ =	sdelay $0x1  }
0x155: {  	v43 =	vld [tilespmem:s7+$0xC00];
	s3 =	sor.u32 $0x1C70, s3;
	[tilespmem:s15+$0x14000] =	vst v1;
	v0 =	vadd.f32 v41, v40  }
0x156: {  	s4 =	sor.u32 $0x1C70, s4;
	v1 =	vld [tilespmem:s3+$0x14000]  }
0x157: {  	v42 =	vld [tilespmem:s4+$0x0];
	[tilespmem:s7+$0x870] =	vst v0  }
0x158: {  	v44 =	vld [tilespmem:s12+$0xC00];
	_ =	sdelay $0x3  }
0x159: {  	v1 =	vadd.f32 v42, v1  }
0x15a: {  	v0 =	vadd.f32 v44, v43  }
0x15b: {  	s14 =	sadd.s32 $0x800, s19;
	s4 =	sadd.s32 $0xFFFFFF80, s6;
	[tilespmem:s3+$0x14000] =	vst v1  }
0x15c: {  	s13 =	rddreg [dreg:$0x4];
	s5 =	sadd.s32 $0xFFFFFF80, s1;
	s3 =	sand.u32 $0x300, s4;
	[tilespmem:s7+$0xC00] =	vst v0;
	v0 =	vld [tilespmem:s7+$0xC10]  }
0x15d: {  	s15 =	sand.u32 $0x1E000, s14;
	s4 =	sand.u32 $0x280, s5;
	s3 =	sor.u32 s3, s16;
	v1 =	vld [tilespmem:s12+$0xC10]  }
0x15e: {  	s19 =	sadd.s32 $0xC00, s19;
	s18 =	sand.u32 $0x380, s6;
	s15 =	sor.u32 s4, s15;
	v45 =	vld [tilespmem:s3+$0x0]  }
0x15f: {  	s19 =	sand.u32 $0x1E000, s19;
	s1 =	sand.u32 $0x300, s1;
	s4 =	sor.u32 s18, s16;
	v46 =	vld [tilespmem:s15+$0x0]  }
0x160: {  	s16 =	sor.u32 s1, s19;
	v4 =	vld [tilespmem:s4+$0x0]  }
0x161: {  	v5 =	vld [tilespmem:s16+$0x0];
	_ =	sdelay $0x3  }
0x162: {  	v2 =	vadd.f32 v46, v45  }
0x163: {  	v47 =	vld [tilespmem:s3+$0x10];
	v48 =	vadd.f32 v5, v4  }
0x164: {  	v50 =	vld [tilespmem:s4+$0x10];
	[tilespmem:s3+$0x0] =	vst v2  }
0x165: {  	[tilespmem:s4+$0x0] =	vst v48;
	v49 =	vld [tilespmem:s15+$0x10]  }
0x166: {  	v51 =	vld [tilespmem:s16+$0x10];
	_ =	sdelay $0x3  }
0x167: {  	v2 =	vadd.f32 v49, v47  }
0x168: {  	v52 =	vld [tilespmem:s3+$0x20];
	v3 =	vadd.f32 v51, v50  }
0x169: {  	v54 =	vld [tilespmem:s4+$0x20];
	[tilespmem:s3+$0x10] =	vst v2  }
0x16a: {  	[tilespmem:s4+$0x10] =	vst v3;
	v53 =	vld [tilespmem:s15+$0x20]  }
0x16b: {  	v55 =	vld [tilespmem:s16+$0x20];
	_ =	sdelay $0x3  }
0x16c: {  	v2 =	vadd.f32 v53, v52  }
0x16d: {  	v56 =	vld [tilespmem:s3+$0x30];
	v3 =	vadd.f32 v55, v54  }
0x16e: {  	v58 =	vld [tilespmem:s4+$0x30];
	[tilespmem:s3+$0x20] =	vst v2  }
0x16f: {  	[tilespmem:s4+$0x20] =	vst v3;
	v57 =	vld [tilespmem:s15+$0x30]  }
0x170: {  	v59 =	vld [tilespmem:s16+$0x30];
	_ =	sdelay $0x3  }
0x171: {  	v2 =	vadd.f32 v57, v56  }
0x172: {  	v60 =	vld [tilespmem:s3+$0x40];
	v3 =	vadd.f32 v59, v58  }
0x173: {  	v62 =	vld [tilespmem:s4+$0x40];
	[tilespmem:s3+$0x30] =	vst v2  }
0x174: {  	[tilespmem:s4+$0x30] =	vst v3;
	v61 =	vld [tilespmem:s15+$0x40]  }
0x175: {  	v63 =	vld [tilespmem:s16+$0x40];
	_ =	sdelay $0x3  }
0x176: {  	v2 =	vadd.f32 v61, v60  }
0x177: {  	v8 =	vld [tilespmem:s3+$0x50];
	v3 =	vadd.f32 v63, v62  }
0x178: {  	v10 =	vld [tilespmem:s4+$0x50];
	[tilespmem:s3+$0x40] =	vst v2  }
0x179: {  	[tilespmem:s4+$0x40] =	vst v3;
	v9 =	vld [tilespmem:s15+$0x50]  }
0x17a: {  	v11 =	vld [tilespmem:s16+$0x50];
	_ =	sdelay $0x3  }
0x17b: {  	v2 =	vadd.f32 v9, v8  }
0x17c: {  	v12 =	vld [tilespmem:s3+$0x60];
	v3 =	vadd.f32 v11, v10  }
0x17d: {  	v14 =	vld [tilespmem:s4+$0x60];
	[tilespmem:s3+$0x50] =	vst v2  }
0x17e: {  	[tilespmem:s4+$0x50] =	vst v3;
	v13 =	vld [tilespmem:s15+$0x60]  }
0x17f: {  	v15 =	vld [tilespmem:s16+$0x60];
	_ =	sdelay $0x3  }
0x180: {  	v2 =	vadd.f32 v13, v12  }
0x181: {  	v16 =	vld [tilespmem:s3+$0x70];
	v3 =	vadd.f32 v15, v14  }
0x182: {  	v18 =	vld [tilespmem:s4+$0x70];
	[tilespmem:s3+$0x60] =	vst v2  }
0x183: {  	[tilespmem:s4+$0x60] =	vst v3;
	v17 =	vld [tilespmem:s15+$0x70]  }
0x184: {  	v19 =	vld [tilespmem:s16+$0x70];
	_ =	sdelay $0x3  }
0x185: {  	v2 =	vadd.f32 v17, v16  }
0x186: {  	v20 =	vld [tilespmem:s3+$0x400];
	v3 =	vadd.f32 v19, v18  }
0x187: {  	v22 =	vld [tilespmem:s4+$0x400];
	[tilespmem:s3+$0x70] =	vst v2  }
0x188: {  	[tilespmem:s4+$0x70] =	vst v3;
	v21 =	vld [tilespmem:s15+$0x400]  }
0x189: {  	v23 =	vld [tilespmem:s16+$0x400];
	_ =	sdelay $0x3  }
0x18a: {  	v2 =	vadd.f32 v21, v20  }
0x18b: {  	v24 =	vld [tilespmem:s3+$0x410];
	v3 =	vadd.f32 v23, v22  }
0x18c: {  	v26 =	vld [tilespmem:s4+$0x410];
	[tilespmem:s3+$0x400] =	vst v2  }
0x18d: {  	[tilespmem:s4+$0x400] =	vst v3;
	v25 =	vld [tilespmem:s15+$0x410]  }
0x18e: {  	v27 =	vld [tilespmem:s16+$0x410];
	_ =	sdelay $0x3  }
0x18f: {  	v2 =	vadd.f32 v25, v24  }
0x190: {  	v28 =	vld [tilespmem:s3+$0x420];
	v3 =	vadd.f32 v27, v26  }
0x191: {  	v30 =	vld [tilespmem:s4+$0x420];
	[tilespmem:s3+$0x410] =	vst v2  }
0x192: {  	[tilespmem:s4+$0x410] =	vst v3;
	v29 =	vld [tilespmem:s15+$0x420]  }
0x193: {  	v31 =	vld [tilespmem:s16+$0x420];
	_ =	sdelay $0x3  }
0x194: {  	v2 =	vadd.f32 v29, v28  }
0x195: {  	v32 =	vld [tilespmem:s3+$0x430];
	v3 =	vadd.f32 v31, v30  }
0x196: {  	v34 =	vld [tilespmem:s4+$0x430];
	[tilespmem:s3+$0x420] =	vst v2  }
0x197: {  	[tilespmem:s4+$0x420] =	vst v3;
	v33 =	vld [tilespmem:s15+$0x430]  }
0x198: {  	v35 =	vld [tilespmem:s16+$0x430];
	_ =	sdelay $0x3  }
0x199: {  	v2 =	vadd.f32 v33, v32  }
0x19a: {  	v36 =	vld [tilespmem:s3+$0x440];
	v3 =	vadd.f32 v35, v34  }
0x19b: {  	v38 =	vld [tilespmem:s4+$0x440];
	[tilespmem:s3+$0x430] =	vst v2  }
0x19c: {  	[tilespmem:s4+$0x430] =	vst v3;
	v37 =	vld [tilespmem:s15+$0x440]  }
0x19d: {  	v39 =	vld [tilespmem:s16+$0x440];
	_ =	sdelay $0x3  }
0x19e: {  	v2 =	vadd.f32 v37, v36  }
0x19f: {  	v40 =	vld [tilespmem:s3+$0x450];
	v3 =	vadd.f32 v39, v38  }
0x1a0: {  	v42 =	vld [tilespmem:s4+$0x450];
	[tilespmem:s3+$0x440] =	vst v2  }
0x1a1: {  	[tilespmem:s4+$0x440] =	vst v3;
	v41 =	vld [tilespmem:s15+$0x450]  }
0x1a2: {  	v43 =	vld [tilespmem:s16+$0x450];
	_ =	sdelay $0x3  }
0x1a3: {  	v2 =	vadd.f32 v41, v40  }
0x1a4: {  	v44 =	vld [tilespmem:s3+$0x460];
	v3 =	vadd.f32 v43, v42  }
0x1a5: {  	v46 =	vld [tilespmem:s4+$0x460];
	[tilespmem:s3+$0x450] =	vst v2  }
0x1a6: {  	[tilespmem:s4+$0x450] =	vst v3;
	v45 =	vld [tilespmem:s15+$0x460]  }
0x1a7: {  	v47 =	vld [tilespmem:s16+$0x460];
	_ =	sdelay $0x3  }
0x1a8: {  	v2 =	vadd.f32 v45, v44  }
0x1a9: {  	v48 =	vld [tilespmem:s3+$0x470];
	v3 =	vadd.f32 v47, v46  }
0x1aa: {  	v50 =	vld [tilespmem:s4+$0x470];
	[tilespmem:s3+$0x460] =	vst v2  }
0x1ab: {  	[tilespmem:s4+$0x460] =	vst v3;
	v49 =	vld [tilespmem:s15+$0x470]  }
0x1ac: {  	v51 =	vld [tilespmem:s16+$0x470];
	_ =	sdelay $0x3  }
0x1ad: {  	v2 =	vadd.f32 v49, v48  }
0x1ae: {  	v52 =	vld [tilespmem:s3+$0x800];
	v3 =	vadd.f32 v51, v50  }
0x1af: {  	v54 =	vld [tilespmem:s4+$0x800];
	[tilespmem:s3+$0x470] =	vst v2  }
0x1b0: {  	[tilespmem:s4+$0x470] =	vst v3;
	v53 =	vld [tilespmem:s15+$0x800]  }
0x1b1: {  	v55 =	vld [tilespmem:s16+$0x800];
	_ =	sdelay $0x3  }
0x1b2: {  	v2 =	vadd.f32 v53, v52  }
0x1b3: {  	v56 =	vld [tilespmem:s3+$0x810];
	v3 =	vadd.f32 v55, v54  }
0x1b4: {  	v58 =	vld [tilespmem:s4+$0x810];
	[tilespmem:s3+$0x800] =	vst v2  }
0x1b5: {  	[tilespmem:s4+$0x800] =	vst v3;
	v57 =	vld [tilespmem:s15+$0x810]  }
0x1b6: {  	v59 =	vld [tilespmem:s16+$0x810];
	_ =	sdelay $0x3  }
0x1b7: {  	v2 =	vadd.f32 v57, v56  }
0x1b8: {  	v60 =	vld [tilespmem:s3+$0x820];
	v3 =	vadd.f32 v59, v58  }
0x1b9: {  	v62 =	vld [tilespmem:s4+$0x820];
	[tilespmem:s3+$0x810] =	vst v2  }
0x1ba: {  	[tilespmem:s4+$0x810] =	vst v3;
	v61 =	vld [tilespmem:s15+$0x820]  }
0x1bb: {  	v63 =	vld [tilespmem:s16+$0x820];
	_ =	sdelay $0x3  }
0x1bc: {  	v2 =	vadd.f32 v61, v60  }
0x1bd: {  	v8 =	vld [tilespmem:s3+$0x830];
	v3 =	vadd.f32 v63, v62  }
0x1be: {  	v10 =	vld [tilespmem:s4+$0x830];
	[tilespmem:s3+$0x820] =	vst v2  }
0x1bf: {  	[tilespmem:s4+$0x820] =	vst v3;
	v9 =	vld [tilespmem:s15+$0x830]  }
0x1c0: {  	v11 =	vld [tilespmem:s16+$0x830];
	_ =	sdelay $0x3  }
0x1c1: {  	v2 =	vadd.f32 v9, v8  }
0x1c2: {  	v12 =	vld [tilespmem:s3+$0x840];
	v3 =	vadd.f32 v11, v10  }
0x1c3: {  	v14 =	vld [tilespmem:s4+$0x840];
	[tilespmem:s3+$0x830] =	vst v2  }
0x1c4: {  	[tilespmem:s4+$0x830] =	vst v3;
	v13 =	vld [tilespmem:s15+$0x840]  }
0x1c5: {  	v15 =	vld [tilespmem:s16+$0x840];
	_ =	sdelay $0x3  }
0x1c6: {  	v2 =	vadd.f32 v13, v12  }
0x1c7: {  	v16 =	vld [tilespmem:s3+$0x850];
	v3 =	vadd.f32 v15, v14  }
0x1c8: {  	v18 =	vld [tilespmem:s4+$0x850];
	[tilespmem:s3+$0x840] =	vst v2  }
0x1c9: {  	[tilespmem:s4+$0x840] =	vst v3;
	v17 =	vld [tilespmem:s15+$0x850]  }
0x1ca: {  	v19 =	vld [tilespmem:s16+$0x850];
	_ =	sdelay $0x3  }
0x1cb: {  	v2 =	vadd.f32 v17, v16  }
0x1cc: {  	v20 =	vld [tilespmem:s3+$0x860];
	v3 =	vadd.f32 v19, v18  }
0x1cd: {  	v22 =	vld [tilespmem:s4+$0x860];
	[tilespmem:s3+$0x850] =	vst v2  }
0x1ce: {  	[tilespmem:s4+$0x850] =	vst v3;
	v21 =	vld [tilespmem:s15+$0x860]  }
0x1cf: {  	v23 =	vld [tilespmem:s16+$0x860];
	_ =	sdelay $0x3  }
0x1d0: {  	v2 =	vadd.f32 v21, v20  }
0x1d1: {  	v24 =	vld [tilespmem:s3+$0x870];
	v3 =	vadd.f32 v23, v22  }
0x1d2: {  	v26 =	vld [tilespmem:s4+$0x870];
	[tilespmem:s3+$0x860] =	vst v2  }
0x1d3: {  	[tilespmem:s4+$0x860] =	vst v3;
	v25 =	vld [tilespmem:s15+$0x870]  }
0x1d4: {  	v27 =	vld [tilespmem:s16+$0x870];
	_ =	sdelay $0x3  }
0x1d5: {  	v2 =	vadd.f32 v25, v24  }
0x1d6: {  	v28 =	vld [tilespmem:s3+$0xC00];
	v3 =	vadd.f32 v27, v26  }
0x1d7: {  	v30 =	vld [tilespmem:s4+$0xC00];
	[tilespmem:s3+$0x870] =	vst v2  }
0x1d8: {  	[tilespmem:s4+$0x870] =	vst v3;
	v29 =	vld [tilespmem:s15+$0xC00]  }
0x1d9: {  	v31 =	vld [tilespmem:s16+$0xC00];
	_ =	sdelay $0x3  }
0x1da: {  	v2 =	vadd.f32 v29, v28  }
0x1db: {  	v32 =	vld [tilespmem:s3+$0xC10];
	v3 =	vadd.f32 v31, v30  }
0x1dc: {  	v34 =	vld [tilespmem:s4+$0xC10];
	[tilespmem:s3+$0xC00] =	vst v2  }
0x1dd: {  	[tilespmem:s4+$0xC00] =	vst v3;
	v33 =	vld [tilespmem:s15+$0xC10]  }
0x1de: {  	v35 =	vld [tilespmem:s16+$0xC10]  }
0x1df: {  	v0 =	vadd.f32 v1, v0;
	_ =	sdelay $0x1  }
0x1e0: {  	[tilespmem:s7+$0xC10] =	vst v0;
	v36 =	vld [tilespmem:s7+$0xC20]  }
0x1e1: {  	v38 =	vld [tilespmem:s12+$0xC20];
	v37 =	vadd.f32 v33, v32  }
0x1e2: {  	v39 =	vld [tilespmem:s3+$0xC20];
	v3 =	vadd.f32 v35, v34  }
0x1e3: {  	v41 =	vld [tilespmem:s4+$0xC20];
	[tilespmem:s3+$0xC10] =	vst v37  }
0x1e4: {  	[tilespmem:s4+$0xC10] =	vst v3;
	v40 =	vld [tilespmem:s15+$0xC20]  }
0x1e5: {  	v42 =	vld [tilespmem:s16+$0xC20]  }
0x1e6: {  	v0 =	vadd.f32 v38, v36;
	_ =	sdelay $0x1  }
0x1e7: {  	[tilespmem:s7+$0xC20] =	vst v0;
	v43 =	vld [tilespmem:s7+$0xC30]  }
0x1e8: {  	v44 =	vld [tilespmem:s12+$0xC30];
	v1 =	vadd.f32 v40, v39  }
0x1e9: {  	v45 =	vld [tilespmem:s3+$0xC30];
	v3 =	vadd.f32 v42, v41  }
0x1ea: {  	v47 =	vld [tilespmem:s4+$0xC30];
	[tilespmem:s3+$0xC20] =	vst v1  }
0x1eb: {  	[tilespmem:s4+$0xC20] =	vst v3;
	v46 =	vld [tilespmem:s15+$0xC30]  }
0x1ec: {  	v48 =	vld [tilespmem:s16+$0xC30]  }
0x1ed: {  	v0 =	vadd.f32 v44, v43;
	_ =	sdelay $0x1  }
0x1ee: {  	[tilespmem:s7+$0xC30] =	vst v0;
	v49 =	vld [tilespmem:s7+$0xC40]  }
0x1ef: {  	v50 =	vld [tilespmem:s12+$0xC40];
	v1 =	vadd.f32 v46, v45  }
0x1f0: {  	v51 =	vld [tilespmem:s3+$0xC40];
	v3 =	vadd.f32 v48, v47  }
0x1f1: {  	v53 =	vld [tilespmem:s4+$0xC40];
	[tilespmem:s3+$0xC30] =	vst v1  }
0x1f2: {  	[tilespmem:s4+$0xC30] =	vst v3;
	v52 =	vld [tilespmem:s15+$0xC40]  }
0x1f3: {  	v54 =	vld [tilespmem:s16+$0xC40]  }
0x1f4: {  	v0 =	vadd.f32 v50, v49;
	_ =	sdelay $0x1  }
0x1f5: {  	[tilespmem:s7+$0xC40] =	vst v0;
	v55 =	vld [tilespmem:s7+$0xC50]  }
0x1f6: {  	v56 =	vld [tilespmem:s12+$0xC50];
	v1 =	vadd.f32 v52, v51  }
0x1f7: {  	v57 =	vld [tilespmem:s3+$0xC50];
	v3 =	vadd.f32 v54, v53  }
0x1f8: {  	v59 =	vld [tilespmem:s4+$0xC50];
	[tilespmem:s3+$0xC40] =	vst v1  }
0x1f9: {  	[tilespmem:s4+$0xC40] =	vst v3;
	v58 =	vld [tilespmem:s15+$0xC50]  }
0x1fa: {  	v60 =	vld [tilespmem:s16+$0xC50]  }
0x1fb: {  	v0 =	vadd.f32 v56, v55;
	_ =	sdelay $0x1  }
0x1fc: {  	[tilespmem:s7+$0xC50] =	vst v0;
	v61 =	vld [tilespmem:s7+$0xC60]  }
0x1fd: {  	v62 =	vld [tilespmem:s12+$0xC60];
	v1 =	vadd.f32 v58, v57  }
0x1fe: {  	v63 =	vld [tilespmem:s3+$0xC60];
	v3 =	vadd.f32 v60, v59  }
0x1ff: {  	v9 =	vld [tilespmem:s4+$0xC60];
	[tilespmem:s3+$0xC50] =	vst v1  }
0x200: {  	[tilespmem:s4+$0xC50] =	vst v3;
	v8 =	vld [tilespmem:s15+$0xC60]  }
0x201: {  	v10 =	vld [tilespmem:s16+$0xC60]  }
0x202: {  	v0 =	vadd.f32 v62, v61;
	_ =	sdelay $0x1  }
0x203: {  	[tilespmem:s7+$0xC60] =	vst v0;
	v11 =	vld [tilespmem:s7+$0xC70]  }
0x204: {  	v12 =	vld [tilespmem:s12+$0xC70];
	v1 =	vadd.f32 v8, v63  }
0x205: {  	v13 =	vld [tilespmem:s3+$0xC70];
	v3 =	vadd.f32 v10, v9  }
0x206: {  	v15 =	vld [tilespmem:s4+$0xC70];
	[tilespmem:s3+$0xC60] =	vst v1  }
0x207: {  	s5 =	sand.u32 $0x7, s8;
	[tilespmem:s4+$0xC60] =	vst v3;
	v14 =	vld [tilespmem:s15+$0xC70]  }
0x208: {  	s1 =	sshll.u32 s5, $0x7;
	v16 =	vld [tilespmem:s16+$0xC70]  }
0x209: {  	s18 =	sand.u32 $0x3, s29;
	s1 =	sadd.s32 s1, s10;
	v0 =	vadd.f32 v12, v11  }
0x20a: {  	s5 =	sshll.u32 s18, $0x8;
	s19 =	sadd.s32 $0x80, s1  }
0x20b: {  	s5 =	sadd.s32 s10, s5;
	s18 =	sor.u32 $0x1000, s19;
	[tilespmem:s7+$0xC70] =	vst v0  }
0x20c: {  	s7 =	sadd.s32 $0x100, s5;
	v0 =	vld [tilespmem:s18+$0x14000];
	v1 =	vadd.f32 v14, v13  }
0x20d: {  	v17 =	vld [tilespmem:s12+$0x1000];
	s5 =	sor.u32 $0x1000, s7;
	v3 =	vadd.f32 v16, v15  }
0x20e: {  	s1 =	sadd.s32 $0x180, s1;
	v18 =	vld [tilespmem:s5+$0x14000];
	[tilespmem:s3+$0xC70] =	vst v1  }
0x20f: {  	[tilespmem:s4+$0xC70] =	vst v3;
	s4 =	sor.u32 $0x1000, s1;
	v19 =	vld [tilespmem:s15+$0x1000]  }
0x210: {  	v3 =	vld [tilespmem:s4+$0x14000]  }
0x211: {  	v20 =	vld [tilespmem:s16+$0x1000]  }
0x212: {  	v0 =	vadd.f32 v17, v0;
	_ =	sdelay $0x1  }
0x213: {  	[tilespmem:s18+$0x14000] =	vst v0;
	s18 =	sor.u32 $0x1010, s19;
	v21 =	vadd.f32 v19, v18  }
0x214: {  	v22 =	vld [tilespmem:s18+$0x14000]  }
0x215: {  	v23 =	vld [tilespmem:s12+$0x1010];
	v24 =	vadd.f32 v20, v3;
	[tilespmem:s5+$0x14000] =	vst v21;
	s5 =	sor.u32 $0x1010, s7  }
0x216: {  	v25 =	vld [tilespmem:s5+$0x14000]  }
0x217: {  	s3 =	sor.u32 $0x1010, s1;
	[tilespmem:s4+$0x14000] =	vst v24;
	v26 =	vld [tilespmem:s15+$0x1010]  }
0x218: {  	v0 =	vld [tilespmem:s3+$0x14000]  }
0x219: {  	v27 =	vld [tilespmem:s16+$0x1010]  }
0x21a: {  	v1 =	vadd.f32 v23, v22;
	_ =	sdelay $0x1  }
0x21b: {  	[tilespmem:s18+$0x14000] =	vst v1;
	s18 =	sor.u32 $0x1020, s19;
	v28 =	vadd.f32 v26, v25  }
0x21c: {  	v29 =	vld [tilespmem:s18+$0x14000]  }
0x21d: {  	v30 =	vld [tilespmem:s12+$0x1020];
	v0 =	vadd.f32 v27, v0;
	[tilespmem:s5+$0x14000] =	vst v28;
	s5 =	sor.u32 $0x1020, s7  }
0x21e: {  	v1 =	vld [tilespmem:s5+$0x14000]  }
0x21f: {  	[tilespmem:s3+$0x14000] =	vst v0;
	s3 =	sor.u32 $0x1020, s1;
	v31 =	vld [tilespmem:s15+$0x1020]  }
0x220: {  	v0 =	vld [tilespmem:s3+$0x14000]  }
0x221: {  	v32 =	vld [tilespmem:s16+$0x1020]  }
0x222: {  	v2 =	vadd.f32 v30, v29;
	_ =	sdelay $0x1  }
0x223: {  	[tilespmem:s18+$0x14000] =	vst v2;
	s18 =	sor.u32 $0x1030, s19;
	v1 =	vadd.f32 v31, v1  }
0x224: {  	v2 =	vld [tilespmem:s18+$0x14000]  }
0x225: {  	v33 =	vld [tilespmem:s12+$0x1030];
	v0 =	vadd.f32 v32, v0;
	[tilespmem:s5+$0x14000] =	vst v1;
	s5 =	sor.u32 $0x1030, s7  }
0x226: {  	v1 =	vld [tilespmem:s5+$0x14000]  }
0x227: {  	[tilespmem:s3+$0x14000] =	vst v0;
	s3 =	sor.u32 $0x1030, s1;
	v34 =	vld [tilespmem:s15+$0x1030]  }
0x228: {  	v0 =	vld [tilespmem:s3+$0x14000]  }
0x229: {  	v35 =	vld [tilespmem:s16+$0x1030]  }
0x22a: {  	v2 =	vadd.f32 v33, v2;
	_ =	sdelay $0x1  }
0x22b: {  	[tilespmem:s18+$0x14000] =	vst v2;
	s18 =	sor.u32 $0x1040, s19;
	v1 =	vadd.f32 v34, v1  }
0x22c: {  	v2 =	vld [tilespmem:s18+$0x14000]  }
0x22d: {  	v36 =	vld [tilespmem:s12+$0x1040];
	v0 =	vadd.f32 v35, v0;
	[tilespmem:s5+$0x14000] =	vst v1;
	s5 =	sor.u32 $0x1040, s7  }
0x22e: {  	v1 =	vld [tilespmem:s5+$0x14000]  }
0x22f: {  	[tilespmem:s3+$0x14000] =	vst v0;
	s3 =	sor.u32 $0x1040, s1;
	v37 =	vld [tilespmem:s15+$0x1040]  }
0x230: {  	v0 =	vld [tilespmem:s3+$0x14000]  }
0x231: {  	v38 =	vld [tilespmem:s16+$0x1040]  }
0x232: {  	v2 =	vadd.f32 v36, v2;
	_ =	sdelay $0x1  }
0x233: {  	[tilespmem:s18+$0x14000] =	vst v2;
	s18 =	sor.u32 $0x1050, s19;
	v1 =	vadd.f32 v37, v1  }
0x234: {  	v2 =	vld [tilespmem:s18+$0x14000]  }
0x235: {  	v39 =	vld [tilespmem:s12+$0x1050];
	v0 =	vadd.f32 v38, v0;
	[tilespmem:s5+$0x14000] =	vst v1;
	s5 =	sor.u32 $0x1050, s7  }
0x236: {  	v1 =	vld [tilespmem:s5+$0x14000]  }
0x237: {  	[tilespmem:s3+$0x14000] =	vst v0;
	s3 =	sor.u32 $0x1050, s1;
	v40 =	vld [tilespmem:s15+$0x1050]  }
0x238: {  	v0 =	vld [tilespmem:s3+$0x14000]  }
0x239: {  	v41 =	vld [tilespmem:s16+$0x1050]  }
0x23a: {  	v2 =	vadd.f32 v39, v2;
	_ =	sdelay $0x1  }
0x23b: {  	[tilespmem:s18+$0x14000] =	vst v2;
	s18 =	sor.u32 $0x1060, s19;
	v1 =	vadd.f32 v40, v1  }
0x23c: {  	v2 =	vld [tilespmem:s18+$0x14000]  }
0x23d: {  	v42 =	vld [tilespmem:s12+$0x1060];
	v0 =	vadd.f32 v41, v0;
	[tilespmem:s5+$0x14000] =	vst v1;
	s5 =	sor.u32 $0x1060, s7  }
0x23e: {  	v1 =	vld [tilespmem:s5+$0x14000]  }
0x23f: {  	[tilespmem:s3+$0x14000] =	vst v0;
	s3 =	sor.u32 $0x1060, s1;
	v43 =	vld [tilespmem:s15+$0x1060]  }
0x240: {  	v0 =	vld [tilespmem:s3+$0x14000]  }
0x241: {  	v44 =	vld [tilespmem:s16+$0x1060]  }
0x242: {  	v2 =	vadd.f32 v42, v2;
	_ =	sdelay $0x1  }
0x243: {  	[tilespmem:s18+$0x14000] =	vst v2;
	s18 =	sor.u32 $0x1070, s19;
	v1 =	vadd.f32 v43, v1  }
0x244: {  	v2 =	vld [tilespmem:s18+$0x14000]  }
0x245: {  	v45 =	vld [tilespmem:s12+$0x1070];
	v0 =	vadd.f32 v44, v0;
	[tilespmem:s5+$0x14000] =	vst v1;
	s5 =	sor.u32 $0x1070, s7  }
0x246: {  	v1 =	vld [tilespmem:s5+$0x14000]  }
0x247: {  	[tilespmem:s3+$0x14000] =	vst v0;
	s3 =	sor.u32 $0x1070, s1;
	v46 =	vld [tilespmem:s15+$0x1070]  }
0x248: {  	v0 =	vld [tilespmem:s3+$0x14000]  }
0x249: {  	v47 =	vld [tilespmem:s16+$0x1070]  }
0x24a: {  	v2 =	vadd.f32 v45, v2;
	_ =	sdelay $0x1  }
0x24b: {  	[tilespmem:s18+$0x14000] =	vst v2;
	s18 =	sor.u32 $0x1400, s19;
	v1 =	vadd.f32 v46, v1  }
0x24c: {  	v2 =	vld [tilespmem:s18+$0x14000]  }
0x24d: {  	v48 =	vld [tilespmem:s12+$0x1400];
	v0 =	vadd.f32 v47, v0;
	[tilespmem:s5+$0x14000] =	vst v1;
	s5 =	sor.u32 $0x1400, s7  }
0x24e: {  	v1 =	vld [tilespmem:s5+$0x14000]  }
0x24f: {  	[tilespmem:s3+$0x14000] =	vst v0;
	s3 =	sor.u32 $0x1400, s1;
	v49 =	vld [tilespmem:s15+$0x1400]  }
0x250: {  	v0 =	vld [tilespmem:s3+$0x14000]  }
0x251: {  	v50 =	vld [tilespmem:s16+$0x1400]  }
0x252: {  	v2 =	vadd.f32 v48, v2;
	_ =	sdelay $0x1  }
0x253: {  	[tilespmem:s18+$0x14000] =	vst v2;
	s18 =	sor.u32 $0x1410, s19;
	v1 =	vadd.f32 v49, v1  }
0x254: {  	v2 =	vld [tilespmem:s18+$0x14000]  }
0x255: {  	v51 =	vld [tilespmem:s12+$0x1410];
	v0 =	vadd.f32 v50, v0;
	[tilespmem:s5+$0x14000] =	vst v1;
	s5 =	sor.u32 $0x1410, s7  }
0x256: {  	v1 =	vld [tilespmem:s5+$0x14000]  }
0x257: {  	[tilespmem:s3+$0x14000] =	vst v0;
	s3 =	sor.u32 $0x1410, s1;
	v52 =	vld [tilespmem:s15+$0x1410]  }
0x258: {  	v0 =	vld [tilespmem:s3+$0x14000]  }
0x259: {  	v53 =	vld [tilespmem:s16+$0x1410]  }
0x25a: {  	v2 =	vadd.f32 v51, v2;
	_ =	sdelay $0x1  }
0x25b: {  	[tilespmem:s18+$0x14000] =	vst v2;
	s18 =	sor.u32 $0x1420, s19;
	v1 =	vadd.f32 v52, v1  }
0x25c: {  	v2 =	vld [tilespmem:s18+$0x14000]  }
0x25d: {  	v54 =	vld [tilespmem:s12+$0x1420];
	v0 =	vadd.f32 v53, v0;
	[tilespmem:s5+$0x14000] =	vst v1;
	s5 =	sor.u32 $0x1420, s7  }
0x25e: {  	v1 =	vld [tilespmem:s5+$0x14000]  }
0x25f: {  	[tilespmem:s3+$0x14000] =	vst v0;
	s3 =	sor.u32 $0x1420, s1;
	v55 =	vld [tilespmem:s15+$0x1420]  }
0x260: {  	v0 =	vld [tilespmem:s3+$0x14000]  }
0x261: {  	v56 =	vld [tilespmem:s16+$0x1420]  }
0x262: {  	v2 =	vadd.f32 v54, v2;
	_ =	sdelay $0x1  }
0x263: {  	[tilespmem:s18+$0x14000] =	vst v2;
	s18 =	sor.u32 $0x1430, s19;
	v1 =	vadd.f32 v55, v1  }
0x264: {  	v2 =	vld [tilespmem:s18+$0x14000]  }
0x265: {  	v57 =	vld [tilespmem:s12+$0x1430];
	v0 =	vadd.f32 v56, v0;
	[tilespmem:s5+$0x14000] =	vst v1;
	s5 =	sor.u32 $0x1430, s7  }
0x266: {  	v1 =	vld [tilespmem:s5+$0x14000]  }
0x267: {  	[tilespmem:s3+$0x14000] =	vst v0;
	s3 =	sor.u32 $0x1430, s1;
	v58 =	vld [tilespmem:s15+$0x1430]  }
0x268: {  	v0 =	vld [tilespmem:s3+$0x14000]  }
0x269: {  	v59 =	vld [tilespmem:s16+$0x1430]  }
0x26a: {  	v2 =	vadd.f32 v57, v2;
	_ =	sdelay $0x1  }
0x26b: {  	[tilespmem:s18+$0x14000] =	vst v2;
	s18 =	sor.u32 $0x1440, s19;
	v1 =	vadd.f32 v58, v1  }
0x26c: {  	v2 =	vld [tilespmem:s18+$0x14000]  }
0x26d: {  	v60 =	vld [tilespmem:s12+$0x1440];
	v0 =	vadd.f32 v59, v0;
	[tilespmem:s5+$0x14000] =	vst v1;
	s5 =	sor.u32 $0x1440, s7  }
0x26e: {  	v1 =	vld [tilespmem:s5+$0x14000]  }
0x26f: {  	[tilespmem:s3+$0x14000] =	vst v0;
	s3 =	sor.u32 $0x1440, s1;
	v61 =	vld [tilespmem:s15+$0x1440]  }
0x270: {  	v0 =	vld [tilespmem:s3+$0x14000]  }
0x271: {  	v62 =	vld [tilespmem:s16+$0x1440]  }
0x272: {  	v2 =	vadd.f32 v60, v2;
	_ =	sdelay $0x1  }
0x273: {  	[tilespmem:s18+$0x14000] =	vst v2;
	s18 =	sor.u32 $0x1450, s19;
	v1 =	vadd.f32 v61, v1  }
0x274: {  	v2 =	vld [tilespmem:s18+$0x14000]  }
0x275: {  	v63 =	vld [tilespmem:s12+$0x1450];
	v0 =	vadd.f32 v62, v0;
	[tilespmem:s5+$0x14000] =	vst v1;
	s5 =	sor.u32 $0x1450, s7  }
0x276: {  	v1 =	vld [tilespmem:s5+$0x14000]  }
0x277: {  	[tilespmem:s3+$0x14000] =	vst v0;
	s3 =	sor.u32 $0x1450, s1;
	v8 =	vld [tilespmem:s15+$0x1450]  }
0x278: {  	v0 =	vld [tilespmem:s3+$0x14000]  }
0x279: {  	v9 =	vld [tilespmem:s16+$0x1450]  }
0x27a: {  	v2 =	vadd.f32 v63, v2;
	_ =	sdelay $0x1  }
0x27b: {  	[tilespmem:s18+$0x14000] =	vst v2;
	s18 =	sor.u32 $0x1460, s19;
	v1 =	vadd.f32 v8, v1  }
0x27c: {  	v2 =	vld [tilespmem:s18+$0x14000]  }
0x27d: {  	v10 =	vld [tilespmem:s12+$0x1460];
	v0 =	vadd.f32 v9, v0;
	[tilespmem:s5+$0x14000] =	vst v1;
	s5 =	sor.u32 $0x1460, s7  }
0x27e: {  	v1 =	vld [tilespmem:s5+$0x14000]  }
0x27f: {  	[tilespmem:s3+$0x14000] =	vst v0;
	s3 =	sor.u32 $0x1460, s1;
	v11 =	vld [tilespmem:s15+$0x1460]  }
0x280: {  	v0 =	vld [tilespmem:s3+$0x14000]  }
0x281: {  	v12 =	vld [tilespmem:s16+$0x1460]  }
0x282: {  	v2 =	vadd.f32 v10, v2;
	_ =	sdelay $0x1  }
0x283: {  	[tilespmem:s18+$0x14000] =	vst v2;
	s18 =	sor.u32 $0x1470, s19;
	v1 =	vadd.f32 v11, v1  }
0x284: {  	v2 =	vld [tilespmem:s18+$0x14000]  }
0x285: {  	v13 =	vld [tilespmem:s12+$0x1470];
	v0 =	vadd.f32 v12, v0;
	[tilespmem:s5+$0x14000] =	vst v1;
	s5 =	sor.u32 $0x1470, s7  }
0x286: {  	v1 =	vld [tilespmem:s5+$0x14000]  }
0x287: {  	[tilespmem:s3+$0x14000] =	vst v0;
	s3 =	sor.u32 $0x1470, s1;
	v14 =	vld [tilespmem:s15+$0x1470]  }
0x288: {  	v0 =	vld [tilespmem:s3+$0x14000]  }
0x289: {  	v15 =	vld [tilespmem:s16+$0x1470]  }
0x28a: {  	v2 =	vadd.f32 v13, v2;
	_ =	sdelay $0x1  }
0x28b: {  	[tilespmem:s18+$0x14000] =	vst v2;
	s18 =	sor.u32 $0x1800, s19;
	v1 =	vadd.f32 v14, v1  }
0x28c: {  	v2 =	vld [tilespmem:s18+$0x14000]  }
0x28d: {  	v16 =	vld [tilespmem:s12+$0x1800];
	v0 =	vadd.f32 v15, v0;
	[tilespmem:s5+$0x14000] =	vst v1;
	s5 =	sor.u32 $0x1800, s7  }
0x28e: {  	v1 =	vld [tilespmem:s5+$0x14000]  }
0x28f: {  	[tilespmem:s3+$0x14000] =	vst v0;
	s3 =	sor.u32 $0x1800, s1;
	v17 =	vld [tilespmem:s15+$0x1800]  }
0x290: {  	v0 =	vld [tilespmem:s3+$0x14000]  }
0x291: {  	v18 =	vld [tilespmem:s16+$0x1800]  }
0x292: {  	v2 =	vadd.f32 v16, v2;
	_ =	sdelay $0x1  }
0x293: {  	[tilespmem:s18+$0x14000] =	vst v2;
	s18 =	sor.u32 $0x1810, s19;
	v1 =	vadd.f32 v17, v1  }
0x294: {  	v2 =	vld [tilespmem:s18+$0x14000]  }
0x295: {  	v19 =	vld [tilespmem:s12+$0x1810];
	v0 =	vadd.f32 v18, v0;
	[tilespmem:s5+$0x14000] =	vst v1;
	s5 =	sor.u32 $0x1810, s7  }
0x296: {  	v1 =	vld [tilespmem:s5+$0x14000]  }
0x297: {  	[tilespmem:s3+$0x14000] =	vst v0;
	s3 =	sor.u32 $0x1810, s1;
	v20 =	vld [tilespmem:s15+$0x1810]  }
0x298: {  	v0 =	vld [tilespmem:s3+$0x14000]  }
0x299: {  	v21 =	vld [tilespmem:s16+$0x1810]  }
0x29a: {  	v2 =	vadd.f32 v19, v2;
	_ =	sdelay $0x1  }
0x29b: {  	[tilespmem:s18+$0x14000] =	vst v2;
	s18 =	sor.u32 $0x1820, s19;
	v1 =	vadd.f32 v20, v1  }
0x29c: {  	v2 =	vld [tilespmem:s18+$0x14000]  }
0x29d: {  	v22 =	vld [tilespmem:s12+$0x1820];
	v0 =	vadd.f32 v21, v0;
	[tilespmem:s5+$0x14000] =	vst v1;
	s5 =	sor.u32 $0x1820, s7  }
0x29e: {  	v1 =	vld [tilespmem:s5+$0x14000]  }
0x29f: {  	[tilespmem:s3+$0x14000] =	vst v0;
	s3 =	sor.u32 $0x1820, s1;
	v23 =	vld [tilespmem:s15+$0x1820]  }
0x2a0: {  	v0 =	vld [tilespmem:s3+$0x14000]  }
0x2a1: {  	v24 =	vld [tilespmem:s16+$0x1820]  }
0x2a2: {  	v2 =	vadd.f32 v22, v2;
	_ =	sdelay $0x1  }
0x2a3: {  	[tilespmem:s18+$0x14000] =	vst v2;
	s18 =	sor.u32 $0x1830, s19;
	v1 =	vadd.f32 v23, v1  }
0x2a4: {  	v2 =	vld [tilespmem:s18+$0x14000]  }
0x2a5: {  	v25 =	vld [tilespmem:s12+$0x1830];
	v0 =	vadd.f32 v24, v0;
	[tilespmem:s5+$0x14000] =	vst v1;
	s5 =	sor.u32 $0x1830, s7  }
0x2a6: {  	v1 =	vld [tilespmem:s5+$0x14000]  }
0x2a7: {  	[tilespmem:s3+$0x14000] =	vst v0;
	s3 =	sor.u32 $0x1830, s1;
	v26 =	vld [tilespmem:s15+$0x1830]  }
0x2a8: {  	v0 =	vld [tilespmem:s3+$0x14000]  }
0x2a9: {  	v27 =	vld [tilespmem:s16+$0x1830]  }
0x2aa: {  	v2 =	vadd.f32 v25, v2;
	_ =	sdelay $0x1  }
0x2ab: {  	[tilespmem:s18+$0x14000] =	vst v2;
	s18 =	sor.u32 $0x1840, s19;
	v1 =	vadd.f32 v26, v1  }
0x2ac: {  	v2 =	vld [tilespmem:s18+$0x14000]  }
0x2ad: {  	v28 =	vld [tilespmem:s12+$0x1840];
	v0 =	vadd.f32 v27, v0;
	[tilespmem:s5+$0x14000] =	vst v1;
	s5 =	sor.u32 $0x1840, s7  }
0x2ae: {  	v1 =	vld [tilespmem:s5+$0x14000]  }
0x2af: {  	[tilespmem:s3+$0x14000] =	vst v0;
	s3 =	sor.u32 $0x1840, s1;
	v29 =	vld [tilespmem:s15+$0x1840]  }
0x2b0: {  	v0 =	vld [tilespmem:s3+$0x14000]  }
0x2b1: {  	v30 =	vld [tilespmem:s16+$0x1840]  }
0x2b2: {  	v2 =	vadd.f32 v28, v2;
	_ =	sdelay $0x1  }
0x2b3: {  	[tilespmem:s18+$0x14000] =	vst v2;
	s18 =	sor.u32 $0x1850, s19;
	v1 =	vadd.f32 v29, v1  }
0x2b4: {  	v2 =	vld [tilespmem:s18+$0x14000]  }
0x2b5: {  	v31 =	vld [tilespmem:s12+$0x1850];
	v0 =	vadd.f32 v30, v0;
	[tilespmem:s5+$0x14000] =	vst v1;
	s5 =	sor.u32 $0x1850, s7  }
0x2b6: {  	v1 =	vld [tilespmem:s5+$0x14000]  }
0x2b7: {  	[tilespmem:s3+$0x14000] =	vst v0;
	s3 =	sor.u32 $0x1850, s1;
	v32 =	vld [tilespmem:s15+$0x1850]  }
0x2b8: {  	v0 =	vld [tilespmem:s3+$0x14000]  }
0x2b9: {  	v33 =	vld [tilespmem:s16+$0x1850]  }
0x2ba: {  	v2 =	vadd.f32 v31, v2;
	_ =	sdelay $0x1  }
0x2bb: {  	[tilespmem:s18+$0x14000] =	vst v2;
	s18 =	sor.u32 $0x1860, s19;
	v1 =	vadd.f32 v32, v1  }
0x2bc: {  	v2 =	vld [tilespmem:s18+$0x14000]  }
0x2bd: {  	v34 =	vld [tilespmem:s12+$0x1860];
	v0 =	vadd.f32 v33, v0;
	[tilespmem:s5+$0x14000] =	vst v1;
	s5 =	sor.u32 $0x1860, s7  }
0x2be: {  	v1 =	vld [tilespmem:s5+$0x14000]  }
0x2bf: {  	[tilespmem:s3+$0x14000] =	vst v0;
	s3 =	sor.u32 $0x1860, s1;
	v35 =	vld [tilespmem:s15+$0x1860]  }
0x2c0: {  	v0 =	vld [tilespmem:s3+$0x14000]  }
0x2c1: {  	v36 =	vld [tilespmem:s16+$0x1860]  }
0x2c2: {  	v2 =	vadd.f32 v34, v2;
	_ =	sdelay $0x1  }
0x2c3: {  	[tilespmem:s18+$0x14000] =	vst v2;
	s18 =	sor.u32 $0x1870, s19;
	v1 =	vadd.f32 v35, v1  }
0x2c4: {  	v2 =	vld [tilespmem:s18+$0x14000]  }
0x2c5: {  	v37 =	vld [tilespmem:s12+$0x1870];
	v0 =	vadd.f32 v36, v0;
	[tilespmem:s5+$0x14000] =	vst v1;
	s5 =	sor.u32 $0x1870, s7  }
0x2c6: {  	v1 =	vld [tilespmem:s5+$0x14000]  }
0x2c7: {  	s12 =	sor.u32 $0x1870, s1;
	[tilespmem:s3+$0x14000] =	vst v0;
	v38 =	vld [tilespmem:s15+$0x1870]  }
0x2c8: {  	v0 =	vld [tilespmem:s12+$0x14000]  }
0x2c9: {  	s3 =	simm.s32 $0x1;
	v39 =	vld [tilespmem:s16+$0x1870]  }
0x2ca: {  	v2 =	vadd.f32 v37, v2;
	s3 =	simm.s32 @!p4 $0x0  }
0x2cb: {  	s3 =	sshll.u32 s3, $0x9  }
0x2cc: {  	[tilespmem:s18+$0x14000] =	vst v2;
	s15 =	sand.u32 $0x7, s24;
	s16 =	sor.u32 $0x1C00, s19;
	s3 =	sadd.s32 s3, s11;
	v1 =	vadd.f32 v38, v1  }
0x2cd: {  	s18 =	sand.u32 $0x3, s30;
	v2 =	vld [tilespmem:s16+$0x14000];
	s11 =	sshll.u32 s15, $0x7;
	s15 =	sor.u32 $0x1C00, s3  }
0x2ce: {  	s18 =	sshll.u32 s18, $0x8;
	s4 =	sadd.s32 s11, s14;
	v40 =	vld [tilespmem:s15+$0x0];
	v0 =	vadd.f32 v39, v0;
	[tilespmem:s5+$0x14000] =	vst v1;
	s5 =	sor.u32 $0x1C00, s7  }
0x2cf: {  	s18 =	sadd.s32 s18, s13;
	s14 =	sor.u32 $0x1C00, s4;
	v1 =	vld [tilespmem:s5+$0x14000]  }
0x2d0: {  	s11 =	sadd.s32 s18, s10;
	[tilespmem:s12+$0x14000] =	vst v0;
	s12 =	sor.u32 $0x1C00, s1;
	v41 =	vld [tilespmem:s14+$0x0]  }
0x2d1: {  	s15 =	sor.u32 $0x1C00, s11;
	v0 =	vld [tilespmem:s12+$0x14000]  }
0x2d2: {  	v42 =	vld [tilespmem:s15+$0x0]  }
0x2d3: {  	v2 =	vadd.f32 v40, v2;
	_ =	sdelay $0x1  }
0x2d4: {  	s13 =	sor.u32 $0x1C10, s19;
	[tilespmem:s16+$0x14000] =	vst v2;
	v1 =	vadd.f32 v41, v1  }
0x2d5: {  	s16 =	sor.u32 $0x1C10, s3;
	v2 =	vld [tilespmem:s13+$0x14000]  }
0x2d6: {  	v43 =	vld [tilespmem:s16+$0x0];
	v0 =	vadd.f32 v42, v0;
	[tilespmem:s5+$0x14000] =	vst v1;
	s5 =	sor.u32 $0x1C10, s7  }
0x2d7: {  	s18 =	sor.u32 $0x1C10, s4;
	v1 =	vld [tilespmem:s5+$0x14000]  }
0x2d8: {  	[tilespmem:s12+$0x14000] =	vst v0;
	s12 =	sor.u32 $0x1C10, s1;
	v44 =	vld [tilespmem:s18+$0x0]  }
0x2d9: {  	s15 =	sor.u32 $0x1C10, s11;
	v0 =	vld [tilespmem:s12+$0x14000]  }
0x2da: {  	v45 =	vld [tilespmem:s15+$0x0]  }
0x2db: {  	v2 =	vadd.f32 v43, v2;
	_ =	sdelay $0x1  }
0x2dc: {  	[tilespmem:s13+$0x14000] =	vst v2;
	s13 =	sor.u32 $0x1C20, s19;
	v1 =	vadd.f32 v44, v1  }
0x2dd: {  	s16 =	sor.u32 $0x1C20, s3;
	v2 =	vld [tilespmem:s13+$0x14000]  }
0x2de: {  	v46 =	vld [tilespmem:s16+$0x0];
	v0 =	vadd.f32 v45, v0;
	[tilespmem:s5+$0x14000] =	vst v1;
	s5 =	sor.u32 $0x1C20, s7  }
0x2df: {  	s18 =	sor.u32 $0x1C20, s4;
	v1 =	vld [tilespmem:s5+$0x14000]  }
0x2e0: {  	[tilespmem:s12+$0x14000] =	vst v0;
	s12 =	sor.u32 $0x1C20, s1;
	v47 =	vld [tilespmem:s18+$0x0]  }
0x2e1: {  	s15 =	sor.u32 $0x1C20, s11;
	v0 =	vld [tilespmem:s12+$0x14000]  }
0x2e2: {  	v48 =	vld [tilespmem:s15+$0x0]  }
0x2e3: {  	v2 =	vadd.f32 v46, v2;
	_ =	sdelay $0x1  }
0x2e4: {  	[tilespmem:s13+$0x14000] =	vst v2;
	s13 =	sor.u32 $0x1C30, s19;
	v1 =	vadd.f32 v47, v1  }
0x2e5: {  	s16 =	sor.u32 $0x1C30, s3;
	v2 =	vld [tilespmem:s13+$0x14000]  }
0x2e6: {  	v49 =	vld [tilespmem:s16+$0x0];
	v0 =	vadd.f32 v48, v0;
	[tilespmem:s5+$0x14000] =	vst v1;
	s5 =	sor.u32 $0x1C30, s7  }
0x2e7: {  	s18 =	sor.u32 $0x1C30, s4;
	v1 =	vld [tilespmem:s5+$0x14000]  }
0x2e8: {  	[tilespmem:s12+$0x14000] =	vst v0;
	s12 =	sor.u32 $0x1C30, s1;
	v50 =	vld [tilespmem:s18+$0x0]  }
0x2e9: {  	s15 =	sor.u32 $0x1C30, s11;
	v0 =	vld [tilespmem:s12+$0x14000]  }
0x2ea: {  	v51 =	vld [tilespmem:s15+$0x0]  }
0x2eb: {  	v2 =	vadd.f32 v49, v2;
	_ =	sdelay $0x1  }
0x2ec: {  	[tilespmem:s13+$0x14000] =	vst v2;
	s13 =	sor.u32 $0x1C40, s19;
	v1 =	vadd.f32 v50, v1  }
0x2ed: {  	s16 =	sor.u32 $0x1C40, s3;
	v2 =	vld [tilespmem:s13+$0x14000]  }
0x2ee: {  	v52 =	vld [tilespmem:s16+$0x0];
	v0 =	vadd.f32 v51, v0;
	[tilespmem:s5+$0x14000] =	vst v1;
	s5 =	sor.u32 $0x1C40, s7  }
0x2ef: {  	s18 =	sor.u32 $0x1C40, s4;
	v1 =	vld [tilespmem:s5+$0x14000]  }
0x2f0: {  	[tilespmem:s12+$0x14000] =	vst v0;
	s12 =	sor.u32 $0x1C40, s1;
	v53 =	vld [tilespmem:s18+$0x0]  }
0x2f1: {  	s15 =	sor.u32 $0x1C40, s11;
	v0 =	vld [tilespmem:s12+$0x14000]  }
0x2f2: {  	v54 =	vld [tilespmem:s15+$0x0]  }
0x2f3: {  	v2 =	vadd.f32 v52, v2;
	_ =	sdelay $0x1  }
0x2f4: {  	[tilespmem:s13+$0x14000] =	vst v2;
	s13 =	sor.u32 $0x1C50, s19;
	v1 =	vadd.f32 v53, v1  }
0x2f5: {  	s16 =	sor.u32 $0x1C50, s3;
	v2 =	vld [tilespmem:s13+$0x14000]  }
0x2f6: {  	v55 =	vld [tilespmem:s16+$0x0];
	v0 =	vadd.f32 v54, v0;
	[tilespmem:s5+$0x14000] =	vst v1;
	s5 =	sor.u32 $0x1C50, s7  }
0x2f7: {  	s18 =	sor.u32 $0x1C50, s4;
	v1 =	vld [tilespmem:s5+$0x14000]  }
0x2f8: {  	[tilespmem:s12+$0x14000] =	vst v0;
	s12 =	sor.u32 $0x1C50, s1;
	v56 =	vld [tilespmem:s18+$0x0]  }
0x2f9: {  	s15 =	sor.u32 $0x1C50, s11;
	v0 =	vld [tilespmem:s12+$0x14000]  }
0x2fa: {  	v57 =	vld [tilespmem:s15+$0x0]  }
0x2fb: {  	v2 =	vadd.f32 v55, v2;
	_ =	sdelay $0x1  }
0x2fc: {  	[tilespmem:s13+$0x14000] =	vst v2;
	s13 =	sor.u32 $0x1C60, s19;
	v1 =	vadd.f32 v56, v1  }
0x2fd: {  	s16 =	sor.u32 $0x1C60, s3;
	v2 =	vld [tilespmem:s13+$0x14000]  }
0x2fe: {  	v58 =	vld [tilespmem:s16+$0x0];
	v0 =	vadd.f32 v57, v0;
	[tilespmem:s5+$0x14000] =	vst v1;
	s5 =	sor.u32 $0x1C60, s7  }
0x2ff: {  	s18 =	sor.u32 $0x1C60, s4;
	v1 =	vld [tilespmem:s5+$0x14000]  }
0x300: {  	[tilespmem:s12+$0x14000] =	vst v0;
	s12 =	sor.u32 $0x1C60, s1;
	v59 =	vld [tilespmem:s18+$0x0]  }
0x301: {  	s15 =	sor.u32 $0x1C60, s11;
	v0 =	vld [tilespmem:s12+$0x14000]  }
0x302: {  	v60 =	vld [tilespmem:s15+$0x0]  }
0x303: {  	v2 =	vadd.f32 v58, v2;
	_ =	sdelay $0x1  }
0x304: {  	s16 =	sor.u32 $0x1C70, s19;
	[tilespmem:s13+$0x14000] =	vst v2;
	v1 =	vadd.f32 v59, v1  }
0x305: {  	s3 =	sor.u32 $0x1C70, s3;
	v2 =	vld [tilespmem:s16+$0x14000]  }
0x306: {  	s18 =	sor.u32 $0x1C70, s7;
	v61 =	vld [tilespmem:s3+$0x0];
	v0 =	vadd.f32 v60, v0;
	[tilespmem:s5+$0x14000] =	vst v1  }
0x307: {  	s4 =	sor.u32 $0x1C70, s4;
	v1 =	vld [tilespmem:s18+$0x14000]  }
0x308: {  	s1 =	sor.u32 $0x1C70, s1;
	[tilespmem:s12+$0x14000] =	vst v0;
	v62 =	vld [tilespmem:s4+$0x0]  }
0x309: {  	s19 =	sor.u32 $0x1C70, s11;
	v0 =	vld [tilespmem:s1+$0x14000]  }
0x30a: {  	v63 =	vld [tilespmem:s19+$0x0]  }
0x30b: {  	s2 =	sadd.s32 $0x4, s2  }
0x30c: {  	p5 =	slt.u32 s2, $0x1C  }
.Ltmp0:
0x30d: {  	v2 =	vadd.f32 v61, v2;
	(pc) =	sbr.rel @p5 .LBB2_3-.Ltmp0, $4  }
0x30e: {  	v1 =	vadd.f32 v62, v1  }
0x30f: {  	p3 =	por !p3, !p3;
	s0 =	sadd.s32 $0x4, s0;
	s6 =	sadd.s32 $0x200, s6;
	[tilespmem:s16+$0x14000] =	vst v2;
	v0 =	vadd.f32 v63, v0  }
0x310: {  	s8 =	sadd.s32 $0x4, s8;
	s29 =	sadd.s32 $0x2, s29;
	s30 =	sadd.s32 $0x2, s30;
	[tilespmem:s18+$0x14000] =	vst v1  }
0x311: {  	s24 =	sadd.s32 $0x4, s24;
	p4 =	por !p4, !p4;
	s10 =	sadd.s32 $0x1000, s10;
	[tilespmem:s1+$0x14000] =	vst v0  }
0x312: {  	s25 =	sadd.s32 $0x1, s25  }
0x313: {  	s0 =	rddreg [dreg:$0x2];
	s1 =	simm.s32 $0x0;
	p3 =	sne.s32 s25, $0x8  }
.Ltmp1:
0x314: {  	s4 =	simm.s32 $0x14000;
	s0 =	sadd.s32 s0, s26;
	(pc) =	sbr.rel @p3 .LBB2_2-.Ltmp1, $4  }
0x315: {  	[hbm4b:s0+s1] =	stream.linear.scatter [tilespmem:s4], [sflag:$0x1], $0x8000, $0x38;
	[tilespmem:$0x1C000] =	vst v63  }
0x316: {  	_ =	swait.ge [sflag:s17], $0x8000  }
0x317: {  	[sflag:s17] =	ssyncset.done $0x0  }
0x318: {  	p1 =	por !p1, !p1;
	[sflag:s17] =	ssyncadd.s32 $0xFFFF8000  }
0x319: {  	s1 =	rddreg [dreg:$0x11]  }
0x31a: {  	s0 =	rddreg [dreg:$0x9];
	s1 =	sadd.s32 $0x1, s1  }
0x31b: {  	p1 =	sne.s32 s1, s0  }
.Ltmp2:
0x31c: {  	_ = 	snop;
	(pc) =	sbr.rel @p1 .LBB2_1-.Ltmp2, $1  }
0x31d: {  	_ =	sdelay $0x3  }
0x31e: {  	_ =	sfence.sel $0x180000  }
0x31f: {  	[bflag:$0x0] =	sbarrier.arrive $0xFFFF  }
0x320: {  	_ =	strace $0x90000047  }
0x321: {  	s0 =	stileid.u32;
	[bflag:$0x2] =	sbarrier.arrive $0xFFFF  }
0x322: {  	p0 =	sne.s32 s0, $0x0;
	s0 =	rddreg [dreg:$0x3]  }
0x323: {  	s0 =	sadd.s32 @!p0 $0x100000, s0  }
0x324: {  	[sflag:s0] =	ssyncadd.tile.s32 @!p0 $0x1;
	_ =	shalt  }
.Lfunc_end2:
_tile_overlayer_lowered:
.L_overlay_start_2:
0x325: {  	(tag) =	ssettag $0x2  }
0x326: {  	s0 =	rddreg [dreg:$0x0];
	s2 =	stileid.u32  }
0x327: {  	s1 =	rddreg [dreg:$0x1];
	p0 =	sne.s32 s2, $0x0  }
0x328: {  	s3 =	rddreg [dreg:$0x2];
	[bflag:$0x3] =	sbarrier.arrive $0xFFFF;
	s2 =	simm.s32 @!p0 $0x1C01  }
0x329: {  	[timem:s3], [sflag:s2] =	dma.local @!p0 [hbm:s0], s1  }
0x32a: {  	s0 =	simm.s32 @!p0 $0x1  }
0x32b: {  	_ =	swait.ge @!p0 [sflag:s0], s1  }
0x32c: {  	s1 =	ssub.s32 @!p0 $0x0, s1;
	[sflag:s0] =	ssyncset.done @!p0 $0x0  }
0x32d: {  	[sflag:s0] =	ssyncadd.s32 @!p0 s1  }
0x32e: {  	[bflag:$0x3] =	sbarrier.arrive $0xFFFF  }
0x32f: {  	_ =	shalt  }

</sc_bundles>
